<compile_context>
chip_gen: v7x
topology: tpu7x:2x2x1
jax: 0.10.2.dev20260603
libtpu: 0.0.44.dev20260713+nightly
codegen_flags: <defaults>
</compile_context>

<pallas_src>
import functools

import jax
import jax.numpy as jnp
from jax import lax
from jax.experimental import pallas as pl
from jax.experimental.pallas import tpu as pltpu
from jax.experimental.pallas import tpu_sc as plsc

_NC = 2
_NS = 16
_NW = _NC * _NS
_CH = 128
_K = 5


def _make_gather(V, D, B):
  b_per_w = B // _NW
  n_chunks = b_per_w // _CH
  n_groups = n_chunks // _K
  n_pairs = n_groups // 2
  grp_rows = _K * _CH
  mesh = plsc.VectorSubcoreMesh(core_axis_name="c", subcore_axis_name="s")

  @functools.partial(
      pl.kernel,
      mesh=mesh,
      compiler_params=pltpu.CompilerParams(use_tc_tiling_on_sc=False),
      out_type=jax.ShapeDtypeStruct((B, D), jnp.float32),
      scratch_types=[
          pltpu.VMEM((n_chunks, _CH), jnp.int32),
          pltpu.VMEM((grp_rows, D), jnp.float32),
          pltpu.VMEM((grp_rows, D), jnp.float32),
          pltpu.SemaphoreType.DMA,
          pltpu.SemaphoreType.DMA,
          pltpu.SemaphoreType.DMA,
          pltpu.SemaphoreType.DMA,
      ],
  )
  def emb(table_hbm, idx_hbm, out_hbm, idx_v, rows_a, rows_b,
          gsem_a, gsem_b, osem_a, osem_b):
    wid = lax.axis_index("s") * _NC + lax.axis_index("c")
    base = wid * b_per_w
    pltpu.sync_copy(idx_hbm.at[wid], idx_v)

    def fire_gathers(g, rows, gsem):
      for b in range(_K):
        pltpu.async_copy(
            table_hbm.at[idx_v.at[g * _K + b]],
            rows.at[pl.ds(b * _CH, _CH)], gsem)

    def drain_gathers(g, rows, gsem):
      for b in range(_K):
        pltpu.make_async_copy(
            table_hbm.at[idx_v.at[g * _K + b]],
            rows.at[pl.ds(b * _CH, _CH)], gsem).wait()

    def fire_wb(g, rows, osem):
      pltpu.async_copy(rows, out_hbm.at[pl.ds(base + g * grp_rows, grp_rows)],
                       osem)

    def drain_wb(g, rows, osem):
      pltpu.make_async_copy(rows,
                            out_hbm.at[pl.ds(base + g * grp_rows, grp_rows)],
                            osem).wait()

    fire_gathers(0, rows_a, gsem_a)

    def body(p, carry):
      g0 = 2 * p
      g1 = g0 + 1

      @pl.when(p > 0)
      def _():
        drain_wb(g1, rows_b, osem_b)

      fire_gathers(g1, rows_b, gsem_b)
      drain_gathers(g0, rows_a, gsem_a)
      fire_wb(g0, rows_a, osem_a)

      @pl.when(p + 1 < n_pairs)
      def _():
        drain_wb(g0, rows_a, osem_a)
        fire_gathers(g0 + 2, rows_a, gsem_a)

      drain_gathers(g1, rows_b, gsem_b)
      fire_wb(g1, rows_b, osem_b)
      return carry

    lax.fori_loop(0, n_pairs, body, 0)
    drain_wb(0, rows_a, osem_a)
    drain_wb(0, rows_b, osem_b)

  return emb


_CW = 896


def _make_passthrough(V, D):
  ncols_pad = (V + 127) // 128 * 128
  total_chunks = ncols_pad // _CW if ncols_pad % _CW == 0 else ncols_pad // _CW + 1
  mesh = plsc.VectorSubcoreMesh(core_axis_name="c", subcore_axis_name="s")

  @functools.partial(
      pl.kernel,
      mesh=mesh,
      compiler_params=pltpu.CompilerParams(
          use_tc_tiling_on_sc=True, needs_layout_passes=False,
          disable_bounds_checks=True),
      out_type=jax.ShapeDtypeStruct((D, V), jnp.float32),
      scratch_types=[
          pltpu.VMEM((D, _CW), jnp.float32),
          pltpu.VMEM((D, _CW), jnp.float32),
          pltpu.SemaphoreType.DMA,
          pltpu.SemaphoreType.DMA,
          pltpu.SemaphoreType.DMA,
          pltpu.SemaphoreType.DMA,
      ],
  )
  def pcopy(tab_hbm, out_hbm, buf_a, buf_b, isem_a, isem_b, osem_a, osem_b):
    wid = lax.axis_index("s") * _NC + lax.axis_index("c")
    nfull = V // _CW
    def fire_in(c, buf, isem):
      pltpu.async_copy(tab_hbm.at[:, pl.ds(c * _CW, _CW)], buf, isem)

    def drain_in(c, buf, isem):
      pltpu.make_async_copy(tab_hbm.at[:, pl.ds(c * _CW, _CW)], buf,
                            isem).wait()

    def fire_out(c, buf, osem):
      pltpu.async_copy(buf, out_hbm.at[:, pl.ds(c * _CW, _CW)], osem)

    def drain_out(c, buf, osem):
      pltpu.make_async_copy(buf, out_hbm.at[:, pl.ds(c * _CW, _CW)],
                            osem).wait()

    n_my = (nfull - 1 - wid) // _NW + 1

    @pl.when(n_my > 0)
    def _():
      fire_in(wid, buf_a, isem_a)

      def body2(p, carry):
        i1 = 2 * p + 1
        c0 = wid + 2 * p * _NW
        c1 = c0 + _NW

        @pl.when(p > 0)
        def _():
          drain_out(c0, buf_b, osem_b)

        @pl.when(i1 < n_my)
        def _():
          fire_in(c1, buf_b, isem_b)

        drain_in(c0, buf_a, isem_a)
        fire_out(c0, buf_a, osem_a)

        @pl.when(i1 + 1 < n_my)
        def _():
          drain_out(c0, buf_a, osem_a)
          fire_in(c1 + _NW, buf_a, isem_a)

        @pl.when(i1 < n_my)
        def _():
          drain_in(c1, buf_b, isem_b)
          fire_out(c1, buf_b, osem_b)

        return carry

      np_ = (n_my + 1) // 2
      lax.fori_loop(0, np_, body2, 0)
      drain_out(wid, buf_a, osem_a)

      @pl.when(n_my % 2 == 0)
      def _():
        drain_out(wid, buf_b, osem_b)


  return pcopy


def kernel(input_ids, use_one_hot_embeddings, embedding_table):
  V, D = embedding_table.shape
  orig_shape = input_ids.shape
  flat = input_ids.reshape(-1)
  B = flat.shape[0]
  b_per_w = B // _NW
  n_chunks = b_per_w // _CH
  idx3 = flat.reshape(_NW, n_chunks, _CH)

  tab_copy = _make_passthrough(V, D)(embedding_table.T).T
  idx3, tab_copy = lax.optimization_barrier((idx3, tab_copy))
  out = _make_gather(V, D, B)(embedding_table, idx3)
  out = out.reshape(orig_shape + (D,))
  aligned = V // _CW * _CW
  if aligned < V:
    tab_copy = lax.dynamic_update_slice(
        tab_copy, embedding_table[aligned:, :], (aligned, 0))
  return (out, tab_copy)

# --- scband reference (transcript-rebuilt; emitter-appended) ---
"""Pipeline reference for scband-embedding-lookup-layer-71794673320327 (READ-ONLY COPY).

The authoritative reference and input builder live on the scoring server;
editing this copy changes nothing except your own understanding.
"""

import jax, jax.numpy as jnp
import numpy as np

VOCAB = 1000000
EMB = 64

def setup_inputs(seed: int = 0) -> dict:
    key = jax.random.key(seed)
    k1, k2 = jax.random.split(key)
    input_ids = jax.random.randint(k1, (4096, 50), 0, VOCAB, dtype=jnp.int32)
    embedding_table = (jax.random.normal(k2, (VOCAB, EMB), dtype=jnp.float32) * 0.02)
    return {"input_ids": input_ids, "use_one_hot_embeddings": 0, "embedding_table": embedding_table}

def reference(input_ids, use_one_hot_embeddings, embedding_table):
    vocab_size, embedding_size = embedding_table.shape
    if input_ids.ndim == 2:
        input_ids = input_ids[..., None]
    flat_input_ids = input_ids.reshape(-1)
    def _one_hot_branch(ids):
        one_hot = jax.nn.one_hot(ids, vocab_size, dtype=embedding_table.dtype)
        return one_hot @ embedding_table
    def _take_branch(ids):
        return jnp.take(embedding_table, ids, axis=0)
    output = jax.lax.cond(use_one_hot_embeddings != 0, _one_hot_branch, _take_branch, flat_input_ids)
    shape = list(input_ids.shape)
    output = output.reshape(shape[:-1] + [shape[-1] * embedding_size])
    return (output, embedding_table)

if __name__ == "__main__":
    import jax
    _d = setup_inputs()
    print(jax.jit(kernel)(*tuple(_d.values())))

</pallas_src>

<mosaic_0001>
#map = affine_map<(d0, d1) -> (0, 0)>
module attributes {stable_mosaic.version = 14 : i64} {
  func.func @pcopy(%arg0: i32, %arg1: i32, %arg2: memref<64x1000000xf32, #tpu.memory_space<hbm>>, %arg3: memref<64x1000000xf32, #tpu.memory_space<hbm>>, %arg4: memref<64x896xf32, #tpu.memory_space<vmem>>, %arg5: memref<64x896xf32, #tpu.memory_space<vmem>>, %arg6: memref<!tpu.dma_semaphore, #tpu.memory_space<semaphore_mem>>, %arg7: memref<!tpu.dma_semaphore, #tpu.memory_space<semaphore_mem>>, %arg8: memref<!tpu.dma_semaphore, #tpu.memory_space<semaphore_mem>>, %arg9: memref<!tpu.dma_semaphore, #tpu.memory_space<semaphore_mem>>) attributes {dimension_semantics = [#tpu.dimension_semantics<core_parallel>, #tpu.dimension_semantics<subcore_parallel>], iteration_bounds = array<i64: 2, 16>, scalar_prefetch = 0 : i64, scratch_operands = 6 : i64, tpu.core_type = #tpu.core_type<sc_vector_subcore>, window_params = [{transform_indices = #map}, {transform_indices = #map}]} {
    %mul3A = arith.constant 2 : i32
    %mul3A_0 = arith.muli %arg1, %mul3A : i32
    %add3A = arith.addi %mul3A_0, %arg0 : i32
    %sub3A = arith.constant 1115 : i32
    %sub3A_1 = arith.subi %sub3A, %add3A : i32
    %jit3A = arith.constant 32 : i32
    %div3A = arith.divsi %sub3A_1, %jit3A : i32
    %sign3A = arith.constant 0 : i32
    %sign3A_2 = arith.cmpi sgt, %sub3A_1, %sign3A : i32
    %sign3A_3 = arith.extui %sign3A_2 : i1 to i32
    %sign3A_4 = arith.constant 0 : i32
    %sign3A_5 = arith.cmpi slt, %sub3A_1, %sign3A_4 : i32
    %sign3A_6 = arith.extui %sign3A_5 : i1 to i32
    %sign3A_7 = arith.subi %sign3A_3, %sign3A_6 : i32
    %sign3A_8 = arith.constant 0 : i32
    %sign3A_9 = arith.cmpi sgt, %jit3A, %sign3A_8 : i32
    %sign3A_10 = arith.extui %sign3A_9 : i1 to i32
    %sign3A_11 = arith.constant 0 : i32
    %sign3A_12 = arith.cmpi slt, %jit3A, %sign3A_11 : i32
    %sign3A_13 = arith.extui %sign3A_12 : i1 to i32
    %sign3A_14 = arith.subi %sign3A_10, %sign3A_13 : i32
    %ne3A = arith.cmpi ne, %sign3A_7, %sign3A_14 : i32
    %rem3A = arith.remsi %sub3A_1, %jit3A : i32
    %ne3A_15 = arith.constant 0 : i32
    %ne3A_16 = arith.cmpi ne, %rem3A, %ne3A_15 : i32
    %and3A = arith.andi %ne3A, %ne3A_16 : i1
    %sub3A_17 = arith.constant 1 : i32
    %sub3A_18 = arith.subi %div3A, %sub3A_17 : i32
    %select_n3A = arith.select %and3A, %sub3A_18, %div3A : i32
    %add3A_19 = arith.constant 1 : i32
    %add3A_20 = arith.addi %select_n3A, %add3A_19 : i32
    %gt3A = arith.constant 0 : i32
    %gt3A_21 = arith.cmpi sgt, %add3A_20, %gt3A : i32
    %convert_element_type3A = arith.extui %gt3A_21 : i1 to i32
    %cond3A = arith.constant 0 : i32
    %cond3A_22 = arith.cmpi ne, %convert_element_type3A, %cond3A : i32
    scf.if %cond3A_22 {
      %mul3A_23 = arith.constant 896 : i32
      %mul3A_24 = arith.muli %add3A, %mul3A_23 : i32
      %dma_start3A = arith.constant 0 : i32
      %dma_start3A_25 = tpu.memref_slice %arg2[%dma_start3A, %mul3A_24] : memref<64x1000000xf32, #tpu.memory_space<hbm>> -> memref<64x896xf32, #tpu.memory_space<hbm>>
      %dma_start3A_26 = arith.constant 0 : i32
      %dma_start3A_27 = tpu.memref_slice %arg2[%dma_start3A_26, %mul3A_24] : memref<64x1000000xf32, #tpu.memory_space<hbm>> -> memref<64x896xf32, #tpu.memory_space<hbm>>
      tpu.enqueue_dma source(%dma_start3A_27 : memref<64x896xf32, #tpu.memory_space<hbm>>) target(%arg4 : memref<64x896xf32, #tpu.memory_space<vmem>>) target_semaphore(%arg6 : memref<!tpu.dma_semaphore, #tpu.memory_space<semaphore_mem>>)
      %add3A_28 = arith.constant 1 : i32
      %add3A_29 = arith.addi %add3A_20, %add3A_28 : i32
      %jit3A_30 = arith.constant 2 : i32
      %div3A_31 = arith.divsi %add3A_29, %jit3A_30 : i32
      %sign3A_32 = arith.constant 0 : i32
      %sign3A_33 = arith.cmpi sgt, %add3A_29, %sign3A_32 : i32
      %sign3A_34 = arith.extui %sign3A_33 : i1 to i32
      %sign3A_35 = arith.constant 0 : i32
      %sign3A_36 = arith.cmpi slt, %add3A_29, %sign3A_35 : i32
      %sign3A_37 = arith.extui %sign3A_36 : i1 to i32
      %sign3A_38 = arith.subi %sign3A_34, %sign3A_37 : i32
      %sign3A_39 = arith.constant 0 : i32
      %sign3A_40 = arith.cmpi sgt, %jit3A_30, %sign3A_39 : i32
      %sign3A_41 = arith.extui %sign3A_40 : i1 to i32
      %sign3A_42 = arith.constant 0 : i32
      %sign3A_43 = arith.cmpi slt, %jit3A_30, %sign3A_42 : i32
      %sign3A_44 = arith.extui %sign3A_43 : i1 to i32
      %sign3A_45 = arith.subi %sign3A_41, %sign3A_44 : i32
      %ne3A_46 = arith.cmpi ne, %sign3A_38, %sign3A_45 : i32
      %rem3A_47 = arith.remsi %add3A_29, %jit3A_30 : i32
      %ne3A_48 = arith.constant 0 : i32
      %ne3A_49 = arith.cmpi ne, %rem3A_47, %ne3A_48 : i32
      %and3A_50 = arith.andi %ne3A_46, %ne3A_49 : i1
      %sub3A_51 = arith.constant 1 : i32
      %sub3A_52 = arith.subi %div3A_31, %sub3A_51 : i32
      %select_n3A_53 = arith.select %and3A_50, %sub3A_52, %div3A_31 : i32
      %while3A = arith.constant 0 : i32
      %while3A_54 = arith.constant 0 : i32
      %while3A_55 = arith.subi %select_n3A_53, %while3A_54 : i32
      %while3A_56 = arith.addi %while3A_54, %while3A_55 : i32
      %while3A_57 = arith.constant 1 : i32
      %while3A_58 = arith.divsi %while3A_55, %while3A_57 : i32
      %while3A_59 = arith.muli %while3A_58, %while3A_57 : i32
      %while3A_60 = arith.addi %while3A_54, %while3A_59 : i32
      %while3A_61 = arith.constant 1 : i32
      scf.for %while3A_87 = %while3A_54 to %while3A_60 step %while3A_61  : i32 {
        %mul3A_88 = arith.constant 2 : i32
        %mul3A_89 = arith.muli %mul3A_88, %while3A_87 : i32
        %add3A_90 = arith.constant 1 : i32
        %add3A_91 = arith.addi %mul3A_89, %add3A_90 : i32
        %mul3A_92 = arith.constant 2 : i32
        %mul3A_93 = arith.muli %mul3A_92, %while3A_87 : i32
        %mul3A_94 = arith.constant 32 : i32
        %mul3A_95 = arith.muli %mul3A_93, %mul3A_94 : i32
        %add3A_96 = arith.addi %add3A, %mul3A_95 : i32
        %add3A_97 = arith.constant 32 : i32
        %add3A_98 = arith.addi %add3A_96, %add3A_97 : i32
        %gt3A_99 = arith.constant 0 : i32
        %gt3A_100 = arith.cmpi sgt, %while3A_87, %gt3A_99 : i32
        %convert_element_type3A_101 = arith.extui %gt3A_100 : i1 to i32
        %cond3A_102 = arith.constant 0 : i32
        %cond3A_103 = arith.cmpi ne, %convert_element_type3A_101, %cond3A_102 : i32
        scf.if %cond3A_103 {
          %mul3A_130 = arith.constant 896 : i32
          %mul3A_131 = arith.muli %add3A_96, %mul3A_130 : i32
          %dma_wait3A_132 = arith.constant 0 : i32
          %dma_wait3A_133 = tpu.memref_slice %arg3[%dma_wait3A_132, %mul3A_131] : memref<64x1000000xf32, #tpu.memory_space<hbm>> -> memref<64x896xf32, #tpu.memory_space<hbm>>
          %dma_wait3A_134 = arith.constant 0 : i32
          %dma_wait3A_135 = tpu.memref_slice %arg3[%dma_wait3A_134, %mul3A_131] : memref<64x1000000xf32, #tpu.memory_space<hbm>> -> memref<64x896xf32, #tpu.memory_space<hbm>>
          tpu.wait_dma2 semaphore(%arg9 : memref<!tpu.dma_semaphore, #tpu.memory_space<semaphore_mem>>) src(%arg5 : memref<64x896xf32, #tpu.memory_space<vmem>>) dst(%dma_wait3A_135 : memref<64x896xf32, #tpu.memory_space<hbm>>)
        } else {
        }
        %lt3A_104 = arith.cmpi slt, %add3A_91, %add3A_20 : i32
        %convert_element_type3A_105 = arith.extui %lt3A_104 : i1 to i32
        %cond3A_106 = arith.constant 0 : i32
        %cond3A_107 = arith.cmpi ne, %convert_element_type3A_105, %cond3A_106 : i32
        scf.if %cond3A_107 {
          %mul3A_130 = arith.constant 896 : i32
          %mul3A_131 = arith.muli %add3A_98, %mul3A_130 : i32
          %dma_start3A_132 = arith.constant 0 : i32
          %dma_start3A_133 = tpu.memref_slice %arg2[%dma_start3A_132, %mul3A_131] : memref<64x1000000xf32, #tpu.memory_space<hbm>> -> memref<64x896xf32, #tpu.memory_space<hbm>>
          %dma_start3A_134 = arith.constant 0 : i32
          %dma_start3A_135 = tpu.memref_slice %arg2[%dma_start3A_134, %mul3A_131] : memref<64x1000000xf32, #tpu.memory_space<hbm>> -> memref<64x896xf32, #tpu.memory_space<hbm>>
          tpu.enqueue_dma source(%dma_start3A_135 : memref<64x896xf32, #tpu.memory_space<hbm>>) target(%arg5 : memref<64x896xf32, #tpu.memory_space<vmem>>) target_semaphore(%arg7 : memref<!tpu.dma_semaphore, #tpu.memory_space<semaphore_mem>>)
        } else {
        }
        %mul3A_108 = arith.constant 896 : i32
        %mul3A_109 = arith.muli %add3A_96, %mul3A_108 : i32
        %dma_wait3A_110 = arith.constant 0 : i32
        %dma_wait3A_111 = tpu.memref_slice %arg2[%dma_wait3A_110, %mul3A_109] : memref<64x1000000xf32, #tpu.memory_space<hbm>> -> memref<64x896xf32, #tpu.memory_space<hbm>>
        %dma_wait3A_112 = arith.constant 0 : i32
        %dma_wait3A_113 = tpu.memref_slice %arg2[%dma_wait3A_112, %mul3A_109] : memref<64x1000000xf32, #tpu.memory_space<hbm>> -> memref<64x896xf32, #tpu.memory_space<hbm>>
        tpu.wait_dma2 semaphore(%arg6 : memref<!tpu.dma_semaphore, #tpu.memory_space<semaphore_mem>>) src(%dma_wait3A_113 : memref<64x896xf32, #tpu.memory_space<hbm>>) dst(%arg4 : memref<64x896xf32, #tpu.memory_space<vmem>>)
        %mul3A_114 = arith.constant 896 : i32
        %mul3A_115 = arith.muli %add3A_96, %mul3A_114 : i32
        %dma_start3A_116 = arith.constant 0 : i32
        %dma_start3A_117 = tpu.memref_slice %arg3[%dma_start3A_116, %mul3A_115] : memref<64x1000000xf32, #tpu.memory_space<hbm>> -> memref<64x896xf32, #tpu.memory_space<hbm>>
        %dma_start3A_118 = arith.constant 0 : i32
        %dma_start3A_119 = tpu.memref_slice %arg3[%dma_start3A_118, %mul3A_115] : memref<64x1000000xf32, #tpu.memory_space<hbm>> -> memref<64x896xf32, #tpu.memory_space<hbm>>
        tpu.enqueue_dma source(%arg4 : memref<64x896xf32, #tpu.memory_space<vmem>>) target(%dma_start3A_119 : memref<64x896xf32, #tpu.memory_space<hbm>>) target_semaphore(%arg8 : memref<!tpu.dma_semaphore, #tpu.memory_space<semaphore_mem>>)
        %add3A_120 = arith.constant 1 : i32
        %add3A_121 = arith.addi %add3A_91, %add3A_120 : i32
        %lt3A_122 = arith.cmpi slt, %add3A_121, %add3A_20 : i32
        %convert_element_type3A_123 = arith.extui %lt3A_122 : i1 to i32
        %cond3A_124 = arith.constant 0 : i32
        %cond3A_125 = arith.cmpi ne, %convert_element_type3A_123, %cond3A_124 : i32
        scf.if %cond3A_125 {
          %mul3A_130 = arith.constant 896 : i32
          %mul3A_131 = arith.muli %add3A_96, %mul3A_130 : i32
          %dma_wait3A_132 = arith.constant 0 : i32
          %dma_wait3A_133 = tpu.memref_slice %arg3[%dma_wait3A_132, %mul3A_131] : memref<64x1000000xf32, #tpu.memory_space<hbm>> -> memref<64x896xf32, #tpu.memory_space<hbm>>
          %dma_wait3A_134 = arith.constant 0 : i32
          %dma_wait3A_135 = tpu.memref_slice %arg3[%dma_wait3A_134, %mul3A_131] : memref<64x1000000xf32, #tpu.memory_space<hbm>> -> memref<64x896xf32, #tpu.memory_space<hbm>>
          tpu.wait_dma2 semaphore(%arg8 : memref<!tpu.dma_semaphore, #tpu.memory_space<semaphore_mem>>) src(%arg4 : memref<64x896xf32, #tpu.memory_space<vmem>>) dst(%dma_wait3A_135 : memref<64x896xf32, #tpu.memory_space<hbm>>)
          %add3A_136 = arith.constant 32 : i32
          %add3A_137 = arith.addi %add3A_98, %add3A_136 : i32
          %mul3A_138 = arith.constant 896 : i32
          %mul3A_139 = arith.muli %add3A_137, %mul3A_138 : i32
          %dma_start3A_140 = arith.constant 0 : i32
          %dma_start3A_141 = tpu.memref_slice %arg2[%dma_start3A_140, %mul3A_139] : memref<64x1000000xf32, #tpu.memory_space<hbm>> -> memref<64x896xf32, #tpu.memory_space<hbm>>
          %dma_start3A_142 = arith.constant 0 : i32
          %dma_start3A_143 = tpu.memref_slice %arg2[%dma_start3A_142, %mul3A_139] : memref<64x1000000xf32, #tpu.memory_space<hbm>> -> memref<64x896xf32, #tpu.memory_space<hbm>>
          tpu.enqueue_dma source(%dma_start3A_143 : memref<64x896xf32, #tpu.memory_space<hbm>>) target(%arg4 : memref<64x896xf32, #tpu.memory_space<vmem>>) target_semaphore(%arg6 : memref<!tpu.dma_semaphore, #tpu.memory_space<semaphore_mem>>)
        } else {
        }
        %lt3A_126 = arith.cmpi slt, %add3A_91, %add3A_20 : i32
        %convert_element_type3A_127 = arith.extui %lt3A_126 : i1 to i32
        %cond3A_128 = arith.constant 0 : i32
        %cond3A_129 = arith.cmpi ne, %convert_element_type3A_127, %cond3A_128 : i32
        scf.if %cond3A_129 {
          %mul3A_130 = arith.constant 896 : i32
          %mul3A_131 = arith.muli %add3A_98, %mul3A_130 : i32
          %dma_wait3A_132 = arith.constant 0 : i32
          %dma_wait3A_133 = tpu.memref_slice %arg2[%dma_wait3A_132, %mul3A_131] : memref<64x1000000xf32, #tpu.memory_space<hbm>> -> memref<64x896xf32, #tpu.memory_space<hbm>>
          %dma_wait3A_134 = arith.constant 0 : i32
          %dma_wait3A_135 = tpu.memref_slice %arg2[%dma_wait3A_134, %mul3A_131] : memref<64x1000000xf32, #tpu.memory_space<hbm>> -> memref<64x896xf32, #tpu.memory_space<hbm>>
          tpu.wait_dma2 semaphore(%arg7 : memref<!tpu.dma_semaphore, #tpu.memory_space<semaphore_mem>>) src(%dma_wait3A_135 : memref<64x896xf32, #tpu.memory_space<hbm>>) dst(%arg5 : memref<64x896xf32, #tpu.memory_space<vmem>>)
          %mul3A_136 = arith.constant 896 : i32
          %mul3A_137 = arith.muli %add3A_98, %mul3A_136 : i32
          %dma_start3A_138 = arith.constant 0 : i32
          %dma_start3A_139 = tpu.memref_slice %arg3[%dma_start3A_138, %mul3A_137] : memref<64x1000000xf32, #tpu.memory_space<hbm>> -> memref<64x896xf32, #tpu.memory_space<hbm>>
          %dma_start3A_140 = arith.constant 0 : i32
          %dma_start3A_141 = tpu.memref_slice %arg3[%dma_start3A_140, %mul3A_137] : memref<64x1000000xf32, #tpu.memory_space<hbm>> -> memref<64x896xf32, #tpu.memory_space<hbm>>
          tpu.enqueue_dma source(%arg5 : memref<64x896xf32, #tpu.memory_space<vmem>>) target(%dma_start3A_141 : memref<64x896xf32, #tpu.memory_space<hbm>>) target_semaphore(%arg9 : memref<!tpu.dma_semaphore, #tpu.memory_space<semaphore_mem>>)
        } else {
        }
      }
      %while3A_62 = arith.constant 1 : i32
      scf.for %while3A_87 = %while3A_60 to %while3A_56 step %while3A_62  : i32 {
        %mul3A_88 = arith.constant 2 : i32
        %mul3A_89 = arith.muli %mul3A_88, %while3A_87 : i32
        %add3A_90 = arith.constant 1 : i32
        %add3A_91 = arith.addi %mul3A_89, %add3A_90 : i32
        %mul3A_92 = arith.constant 2 : i32
        %mul3A_93 = arith.muli %mul3A_92, %while3A_87 : i32
        %mul3A_94 = arith.constant 32 : i32
        %mul3A_95 = arith.muli %mul3A_93, %mul3A_94 : i32
        %add3A_96 = arith.addi %add3A, %mul3A_95 : i32
        %add3A_97 = arith.constant 32 : i32
        %add3A_98 = arith.addi %add3A_96, %add3A_97 : i32
        %gt3A_99 = arith.constant 0 : i32
        %gt3A_100 = arith.cmpi sgt, %while3A_87, %gt3A_99 : i32
        %convert_element_type3A_101 = arith.extui %gt3A_100 : i1 to i32
        %cond3A_102 = arith.constant 0 : i32
        %cond3A_103 = arith.cmpi ne, %convert_element_type3A_101, %cond3A_102 : i32
        scf.if %cond3A_103 {
          %mul3A_130 = arith.constant 896 : i32
          %mul3A_131 = arith.muli %add3A_96, %mul3A_130 : i32
          %dma_wait3A_132 = arith.constant 0 : i32
          %dma_wait3A_133 = tpu.memref_slice %arg3[%dma_wait3A_132, %mul3A_131] : memref<64x1000000xf32, #tpu.memory_space<hbm>> -> memref<64x896xf32, #tpu.memory_space<hbm>>
          %dma_wait3A_134 = arith.constant 0 : i32
          %dma_wait3A_135 = tpu.memref_slice %arg3[%dma_wait3A_134, %mul3A_131] : memref<64x1000000xf32, #tpu.memory_space<hbm>> -> memref<64x896xf32, #tpu.memory_space<hbm>>
          tpu.wait_dma2 semaphore(%arg9 : memref<!tpu.dma_semaphore, #tpu.memory_space<semaphore_mem>>) src(%arg5 : memref<64x896xf32, #tpu.memory_space<vmem>>) dst(%dma_wait3A_135 : memref<64x896xf32, #tpu.memory_space<hbm>>)
        } else {
        }
        %lt3A_104 = arith.cmpi slt, %add3A_91, %add3A_20 : i32
        %convert_element_type3A_105 = arith.extui %lt3A_104 : i1 to i32
        %cond3A_106 = arith.constant 0 : i32
        %cond3A_107 = arith.cmpi ne, %convert_element_type3A_105, %cond3A_106 : i32
        scf.if %cond3A_107 {
          %mul3A_130 = arith.constant 896 : i32
          %mul3A_131 = arith.muli %add3A_98, %mul3A_130 : i32
          %dma_start3A_132 = arith.constant 0 : i32
          %dma_start3A_133 = tpu.memref_slice %arg2[%dma_start3A_132, %mul3A_131] : memref<64x1000000xf32, #tpu.memory_space<hbm>> -> memref<64x896xf32, #tpu.memory_space<hbm>>
          %dma_start3A_134 = arith.constant 0 : i32
          %dma_start3A_135 = tpu.memref_slice %arg2[%dma_start3A_134, %mul3A_131] : memref<64x1000000xf32, #tpu.memory_space<hbm>> -> memref<64x896xf32, #tpu.memory_space<hbm>>
          tpu.enqueue_dma source(%dma_start3A_135 : memref<64x896xf32, #tpu.memory_space<hbm>>) target(%arg5 : memref<64x896xf32, #tpu.memory_space<vmem>>) target_semaphore(%arg7 : memref<!tpu.dma_semaphore, #tpu.memory_space<semaphore_mem>>)
        } else {
        }
        %mul3A_108 = arith.constant 896 : i32
        %mul3A_109 = arith.muli %add3A_96, %mul3A_108 : i32
        %dma_wait3A_110 = arith.constant 0 : i32
        %dma_wait3A_111 = tpu.memref_slice %arg2[%dma_wait3A_110, %mul3A_109] : memref<64x1000000xf32, #tpu.memory_space<hbm>> -> memref<64x896xf32, #tpu.memory_space<hbm>>
        %dma_wait3A_112 = arith.constant 0 : i32
        %dma_wait3A_113 = tpu.memref_slice %arg2[%dma_wait3A_112, %mul3A_109] : memref<64x1000000xf32, #tpu.memory_space<hbm>> -> memref<64x896xf32, #tpu.memory_space<hbm>>
        tpu.wait_dma2 semaphore(%arg6 : memref<!tpu.dma_semaphore, #tpu.memory_space<semaphore_mem>>) src(%dma_wait3A_113 : memref<64x896xf32, #tpu.memory_space<hbm>>) dst(%arg4 : memref<64x896xf32, #tpu.memory_space<vmem>>)
        %mul3A_114 = arith.constant 896 : i32
        %mul3A_115 = arith.muli %add3A_96, %mul3A_114 : i32
        %dma_start3A_116 = arith.constant 0 : i32
        %dma_start3A_117 = tpu.memref_slice %arg3[%dma_start3A_116, %mul3A_115] : memref<64x1000000xf32, #tpu.memory_space<hbm>> -> memref<64x896xf32, #tpu.memory_space<hbm>>
        %dma_start3A_118 = arith.constant 0 : i32
        %dma_start3A_119 = tpu.memref_slice %arg3[%dma_start3A_118, %mul3A_115] : memref<64x1000000xf32, #tpu.memory_space<hbm>> -> memref<64x896xf32, #tpu.memory_space<hbm>>
        tpu.enqueue_dma source(%arg4 : memref<64x896xf32, #tpu.memory_space<vmem>>) target(%dma_start3A_119 : memref<64x896xf32, #tpu.memory_space<hbm>>) target_semaphore(%arg8 : memref<!tpu.dma_semaphore, #tpu.memory_space<semaphore_mem>>)
        %add3A_120 = arith.constant 1 : i32
        %add3A_121 = arith.addi %add3A_91, %add3A_120 : i32
        %lt3A_122 = arith.cmpi slt, %add3A_121, %add3A_20 : i32
        %convert_element_type3A_123 = arith.extui %lt3A_122 : i1 to i32
        %cond3A_124 = arith.constant 0 : i32
        %cond3A_125 = arith.cmpi ne, %convert_element_type3A_123, %cond3A_124 : i32
        scf.if %cond3A_125 {
          %mul3A_130 = arith.constant 896 : i32
          %mul3A_131 = arith.muli %add3A_96, %mul3A_130 : i32
          %dma_wait3A_132 = arith.constant 0 : i32
          %dma_wait3A_133 = tpu.memref_slice %arg3[%dma_wait3A_132, %mul3A_131] : memref<64x1000000xf32, #tpu.memory_space<hbm>> -> memref<64x896xf32, #tpu.memory_space<hbm>>
          %dma_wait3A_134 = arith.constant 0 : i32
          %dma_wait3A_135 = tpu.memref_slice %arg3[%dma_wait3A_134, %mul3A_131] : memref<64x1000000xf32, #tpu.memory_space<hbm>> -> memref<64x896xf32, #tpu.memory_space<hbm>>
          tpu.wait_dma2 semaphore(%arg8 : memref<!tpu.dma_semaphore, #tpu.memory_space<semaphore_mem>>) src(%arg4 : memref<64x896xf32, #tpu.memory_space<vmem>>) dst(%dma_wait3A_135 : memref<64x896xf32, #tpu.memory_space<hbm>>)
          %add3A_136 = arith.constant 32 : i32
          %add3A_137 = arith.addi %add3A_98, %add3A_136 : i32
          %mul3A_138 = arith.constant 896 : i32
          %mul3A_139 = arith.muli %add3A_137, %mul3A_138 : i32
          %dma_start3A_140 = arith.constant 0 : i32
          %dma_start3A_141 = tpu.memref_slice %arg2[%dma_start3A_140, %mul3A_139] : memref<64x1000000xf32, #tpu.memory_space<hbm>> -> memref<64x896xf32, #tpu.memory_space<hbm>>
          %dma_start3A_142 = arith.constant 0 : i32
          %dma_start3A_143 = tpu.memref_slice %arg2[%dma_start3A_142, %mul3A_139] : memref<64x1000000xf32, #tpu.memory_space<hbm>> -> memref<64x896xf32, #tpu.memory_space<hbm>>
          tpu.enqueue_dma source(%dma_start3A_143 : memref<64x896xf32, #tpu.memory_space<hbm>>) target(%arg4 : memref<64x896xf32, #tpu.memory_space<vmem>>) target_semaphore(%arg6 : memref<!tpu.dma_semaphore, #tpu.memory_space<semaphore_mem>>)
        } else {
        }
        %lt3A_126 = arith.cmpi slt, %add3A_91, %add3A_20 : i32
        %convert_element_type3A_127 = arith.extui %lt3A_126 : i1 to i32
        %cond3A_128 = arith.constant 0 : i32
        %cond3A_129 = arith.cmpi ne, %convert_element_type3A_127, %cond3A_128 : i32
        scf.if %cond3A_129 {
          %mul3A_130 = arith.constant 896 : i32
          %mul3A_131 = arith.muli %add3A_98, %mul3A_130 : i32
          %dma_wait3A_132 = arith.constant 0 : i32
          %dma_wait3A_133 = tpu.memref_slice %arg2[%dma_wait3A_132, %mul3A_131] : memref<64x1000000xf32, #tpu.memory_space<hbm>> -> memref<64x896xf32, #tpu.memory_space<hbm>>
          %dma_wait3A_134 = arith.constant 0 : i32
          %dma_wait3A_135 = tpu.memref_slice %arg2[%dma_wait3A_134, %mul3A_131] : memref<64x1000000xf32, #tpu.memory_space<hbm>> -> memref<64x896xf32, #tpu.memory_space<hbm>>
          tpu.wait_dma2 semaphore(%arg7 : memref<!tpu.dma_semaphore, #tpu.memory_space<semaphore_mem>>) src(%dma_wait3A_135 : memref<64x896xf32, #tpu.memory_space<hbm>>) dst(%arg5 : memref<64x896xf32, #tpu.memory_space<vmem>>)
          %mul3A_136 = arith.constant 896 : i32
          %mul3A_137 = arith.muli %add3A_98, %mul3A_136 : i32
          %dma_start3A_138 = arith.constant 0 : i32
          %dma_start3A_139 = tpu.memref_slice %arg3[%dma_start3A_138, %mul3A_137] : memref<64x1000000xf32, #tpu.memory_space<hbm>> -> memref<64x896xf32, #tpu.memory_space<hbm>>
          %dma_start3A_140 = arith.constant 0 : i32
          %dma_start3A_141 = tpu.memref_slice %arg3[%dma_start3A_140, %mul3A_137] : memref<64x1000000xf32, #tpu.memory_space<hbm>> -> memref<64x896xf32, #tpu.memory_space<hbm>>
          tpu.enqueue_dma source(%arg5 : memref<64x896xf32, #tpu.memory_space<vmem>>) target(%dma_start3A_141 : memref<64x896xf32, #tpu.memory_space<hbm>>) target_semaphore(%arg9 : memref<!tpu.dma_semaphore, #tpu.memory_space<semaphore_mem>>)
        } else {
        }
      }
      %mul3A_63 = arith.constant 896 : i32
      %mul3A_64 = arith.muli %add3A, %mul3A_63 : i32
      %dma_wait3A = arith.constant 0 : i32
      %dma_wait3A_65 = tpu.memref_slice %arg3[%dma_wait3A, %mul3A_64] : memref<64x1000000xf32, #tpu.memory_space<hbm>> -> memref<64x896xf32, #tpu.memory_space<hbm>>
      %dma_wait3A_66 = arith.constant 0 : i32
      %dma_wait3A_67 = tpu.memref_slice %arg3[%dma_wait3A_66, %mul3A_64] : memref<64x1000000xf32, #tpu.memory_space<hbm>> -> memref<64x896xf32, #tpu.memory_space<hbm>>
      tpu.wait_dma2 semaphore(%arg8 : memref<!tpu.dma_semaphore, #tpu.memory_space<semaphore_mem>>) src(%arg4 : memref<64x896xf32, #tpu.memory_space<vmem>>) dst(%dma_wait3A_67 : memref<64x896xf32, #tpu.memory_space<hbm>>)
      %jit3A_68 = arith.constant 2 : i32
      %eq3A = arith.constant 0 : i32
      %eq3A_69 = arith.cmpi eq, %jit3A_68, %eq3A : i32
      %jit3A_70 = arith.constant 1 : i32
      %select_n3A_71 = arith.select %eq3A_69, %jit3A_70, %jit3A_68 : i32
      %rem3A_72 = arith.remsi %add3A_20, %select_n3A_71 : i32
      %ne3A_73 = arith.constant 0 : i32
      %ne3A_74 = arith.cmpi ne, %rem3A_72, %ne3A_73 : i32
      %lt3A = arith.constant 0 : i32
      %lt3A_75 = arith.cmpi slt, %rem3A_72, %lt3A : i32
      %lt3A_76 = arith.constant 0 : i32
      %lt3A_77 = arith.cmpi slt, %select_n3A_71, %lt3A_76 : i32
      %ne3A_78 = arith.xori %lt3A_75, %lt3A_77 : i1
      %and3A_79 = arith.andi %ne3A_78, %ne3A_74 : i1
      %add3A_80 = arith.addi %rem3A_72, %select_n3A_71 : i32
      %select_n3A_81 = arith.select %and3A_79, %add3A_80, %rem3A_72 : i32
      %eq3A_82 = arith.constant 0 : i32
      %eq3A_83 = arith.cmpi eq, %select_n3A_81, %eq3A_82 : i32
      %convert_element_type3A_84 = arith.extui %eq3A_83 : i1 to i32
      %cond3A_85 = arith.constant 0 : i32
      %cond3A_86 = arith.cmpi ne, %convert_element_type3A_84, %cond3A_85 : i32
      scf.if %cond3A_86 {
        %mul3A_87 = arith.constant 896 : i32
        %mul3A_88 = arith.muli %add3A, %mul3A_87 : i32
        %dma_wait3A_89 = arith.constant 0 : i32
        %dma_wait3A_90 = tpu.memref_slice %arg3[%dma_wait3A_89, %mul3A_88] : memref<64x1000000xf32, #tpu.memory_space<hbm>> -> memref<64x896xf32, #tpu.memory_space<hbm>>
        %dma_wait3A_91 = arith.constant 0 : i32
        %dma_wait3A_92 = tpu.memref_slice %arg3[%dma_wait3A_91, %mul3A_88] : memref<64x1000000xf32, #tpu.memory_space<hbm>> -> memref<64x896xf32, #tpu.memory_space<hbm>>
        tpu.wait_dma2 semaphore(%arg9 : memref<!tpu.dma_semaphore, #tpu.memory_space<semaphore_mem>>) src(%arg5 : memref<64x896xf32, #tpu.memory_space<vmem>>) dst(%dma_wait3A_92 : memref<64x896xf32, #tpu.memory_space<hbm>>)
      } else {
      }
    } else {
    }
    return
  }
}

#map = affine_map<(d0, d1) -> (0, 0)>
#map1 = affine_map<(d0, d1) -> (0, 0, 0)>
module attributes {stable_mosaic.version = 14 : i64} {
  func.func @emb(%arg0: i32, %arg1: i32, %arg2: memref<1000000x64xf32, #tpu.memory_space<hbm>>, %arg3: memref<32x50x128xi32, #tpu.memory_space<hbm>>, %arg4: memref<204800x64xf32, #tpu.memory_space<hbm>>, %arg5: memref<50x128xi32, #tpu.memory_space<vmem>>, %arg6: memref<640x64xf32, #tpu.memory_space<vmem>>, %arg7: memref<640x64xf32, #tpu.memory_space<vmem>>, %arg8: memref<!tpu.dma_semaphore, #tpu.memory_space<semaphore_mem>>, %arg9: memref<!tpu.dma_semaphore, #tpu.memory_space<semaphore_mem>>, %arg10: memref<!tpu.dma_semaphore, #tpu.memory_space<semaphore_mem>>, %arg11: memref<!tpu.dma_semaphore, #tpu.memory_space<semaphore_mem>>) attributes {dimension_semantics = [#tpu.dimension_semantics<core_parallel>, #tpu.dimension_semantics<subcore_parallel>], iteration_bounds = array<i64: 2, 16>, scalar_prefetch = 0 : i64, scratch_operands = 7 : i64, tpu.core_type = #tpu.core_type<sc_vector_subcore>, window_params = [{transform_indices = #map}, {transform_indices = #map1}, {transform_indices = #map}]} {
    %mul3A = arith.constant 2 : i32
    %mul3A_0 = arith.muli %arg1, %mul3A : i32
    %add3A = arith.addi %mul3A_0, %arg0 : i32
    %mul3A_1 = arith.constant 6400 : i32
    %mul3A_2 = arith.muli %add3A, %mul3A_1 : i32
    "tpu.region"() ({
      %run_scoped3A = tpu.sem_alloc : memref<!tpu.dma_semaphore, #tpu.memory_space<semaphore_mem>>
      %dma_start3A_68 = arith.constant 0 : i32
      %dma_start3A_69 = arith.constant 0 : i32
      %dma_start3A_70 = tpu.memref_slice %arg3[%add3A, %dma_start3A_68, %dma_start3A_69] : memref<32x50x128xi32, #tpu.memory_space<hbm>> -> memref<1x50x128xi32, #tpu.memory_space<hbm>>
      %dma_start3A_71 = tpu.memref_squeeze %dma_start3A_70 : memref<1x50x128xi32, #tpu.memory_space<hbm>> -> memref<50x128xi32, #tpu.memory_space<hbm>>
      %dma_start3A_72 = arith.constant 0 : i32
      %dma_start3A_73 = arith.constant 0 : i32
      %dma_start3A_74 = tpu.memref_slice %arg3[%add3A, %dma_start3A_72, %dma_start3A_73] : memref<32x50x128xi32, #tpu.memory_space<hbm>> -> memref<1x50x128xi32, #tpu.memory_space<hbm>>
      %dma_start3A_75 = tpu.memref_squeeze %dma_start3A_74 : memref<1x50x128xi32, #tpu.memory_space<hbm>> -> memref<50x128xi32, #tpu.memory_space<hbm>>
      tpu.enqueue_dma source(%dma_start3A_75 : memref<50x128xi32, #tpu.memory_space<hbm>>) target(%arg5 : memref<50x128xi32, #tpu.memory_space<vmem>>) target_semaphore(%run_scoped3A : memref<!tpu.dma_semaphore, #tpu.memory_space<semaphore_mem>>)
      %dma_wait3A_76 = arith.constant 0 : i32
      %dma_wait3A_77 = arith.constant 0 : i32
      %dma_wait3A_78 = tpu.memref_slice %arg3[%add3A, %dma_wait3A_76, %dma_wait3A_77] : memref<32x50x128xi32, #tpu.memory_space<hbm>> -> memref<1x50x128xi32, #tpu.memory_space<hbm>>
      %dma_wait3A_79 = tpu.memref_squeeze %dma_wait3A_78 : memref<1x50x128xi32, #tpu.memory_space<hbm>> -> memref<50x128xi32, #tpu.memory_space<hbm>>
      %dma_wait3A_80 = arith.constant 0 : i32
      %dma_wait3A_81 = arith.constant 0 : i32
      %dma_wait3A_82 = tpu.memref_slice %arg3[%add3A, %dma_wait3A_80, %dma_wait3A_81] : memref<32x50x128xi32, #tpu.memory_space<hbm>> -> memref<1x50x128xi32, #tpu.memory_space<hbm>>
      %dma_wait3A_83 = tpu.memref_squeeze %dma_wait3A_82 : memref<1x50x128xi32, #tpu.memory_space<hbm>> -> memref<50x128xi32, #tpu.memory_space<hbm>>
      tpu.wait_dma2 semaphore(%run_scoped3A : memref<!tpu.dma_semaphore, #tpu.memory_space<semaphore_mem>>) src(%dma_wait3A_83 : memref<50x128xi32, #tpu.memory_space<hbm>>) dst(%arg5 : memref<50x128xi32, #tpu.memory_space<vmem>>)
      tpu.yield
    }) : () -> ()
    %dma_start3A = arith.constant 0 : i32
    %dma_start3A_3 = arith.constant 0 : i32
    %dma_start3A_4 = arith.constant 0 : i32
    %dma_start3A_5 = tpu.memref_slice %arg6[%dma_start3A_3, %dma_start3A_4] : memref<640x64xf32, #tpu.memory_space<vmem>> -> memref<128x64xf32, #tpu.memory_space<vmem>>
    %dma_start3A_6 = arith.constant 0 : i32
    %dma_start3A_7 = tpu.memref_slice %arg5[%dma_start3A, %dma_start3A_6] : memref<50x128xi32, #tpu.memory_space<vmem>> -> memref<1x128xi32, #tpu.memory_space<vmem>>
    %dma_start3A_8 = tpu.memref_squeeze %dma_start3A_7 : memref<1x128xi32, #tpu.memory_space<vmem>> -> memref<128xi32, #tpu.memory_space<vmem>>
    %dma_start3A_9 = arith.constant 0 : i32
    %dma_start3A_10 = arith.constant 0 : i32
    %dma_start3A_11 = tpu.memref_slice %arg2[%dma_start3A_9, %dma_start3A_10] : memref<1000000x64xf32, #tpu.memory_space<hbm>> -> memref<1000000x64xf32, #tpu.memory_space<hbm>>
    tpu.enqueue_indirect_dma source(%dma_start3A_11 : memref<1000000x64xf32, #tpu.memory_space<hbm>>) target(%dma_start3A_5 : memref<128x64xf32, #tpu.memory_space<vmem>>) offsets(%dma_start3A_8 : memref<128xi32, #tpu.memory_space<vmem>>) semaphore(%arg8 : memref<!tpu.dma_semaphore, #tpu.memory_space<semaphore_mem>>)
    %dma_start3A_12 = arith.constant 1 : i32
    %dma_start3A_13 = arith.constant 128 : i32
    %dma_start3A_14 = arith.constant 0 : i32
    %dma_start3A_15 = tpu.memref_slice %arg6[%dma_start3A_13, %dma_start3A_14] : memref<640x64xf32, #tpu.memory_space<vmem>> -> memref<128x64xf32, #tpu.memory_space<vmem>>
    %dma_start3A_16 = arith.constant 0 : i32
    %dma_start3A_17 = tpu.memref_slice %arg5[%dma_start3A_12, %dma_start3A_16] : memref<50x128xi32, #tpu.memory_space<vmem>> -> memref<1x128xi32, #tpu.memory_space<vmem>>
    %dma_start3A_18 = tpu.memref_squeeze %dma_start3A_17 : memref<1x128xi32, #tpu.memory_space<vmem>> -> memref<128xi32, #tpu.memory_space<vmem>>
    %dma_start3A_19 = arith.constant 0 : i32
    %dma_start3A_20 = arith.constant 0 : i32
    %dma_start3A_21 = tpu.memref_slice %arg2[%dma_start3A_19, %dma_start3A_20] : memref<1000000x64xf32, #tpu.memory_space<hbm>> -> memref<1000000x64xf32, #tpu.memory_space<hbm>>
    tpu.enqueue_indirect_dma source(%dma_start3A_21 : memref<1000000x64xf32, #tpu.memory_space<hbm>>) target(%dma_start3A_15 : memref<128x64xf32, #tpu.memory_space<vmem>>) offsets(%dma_start3A_18 : memref<128xi32, #tpu.memory_space<vmem>>) semaphore(%arg8 : memref<!tpu.dma_semaphore, #tpu.memory_space<semaphore_mem>>)
    %dma_start3A_22 = arith.constant 2 : i32
    %dma_start3A_23 = arith.constant 256 : i32
    %dma_start3A_24 = arith.constant 0 : i32
    %dma_start3A_25 = tpu.memref_slice %arg6[%dma_start3A_23, %dma_start3A_24] : memref<640x64xf32, #tpu.memory_space<vmem>> -> memref<128x64xf32, #tpu.memory_space<vmem>>
    %dma_start3A_26 = arith.constant 0 : i32
    %dma_start3A_27 = tpu.memref_slice %arg5[%dma_start3A_22, %dma_start3A_26] : memref<50x128xi32, #tpu.memory_space<vmem>> -> memref<1x128xi32, #tpu.memory_space<vmem>>
    %dma_start3A_28 = tpu.memref_squeeze %dma_start3A_27 : memref<1x128xi32, #tpu.memory_space<vmem>> -> memref<128xi32, #tpu.memory_space<vmem>>
    %dma_start3A_29 = arith.constant 0 : i32
    %dma_start3A_30 = arith.constant 0 : i32
    %dma_start3A_31 = tpu.memref_slice %arg2[%dma_start3A_29, %dma_start3A_30] : memref<1000000x64xf32, #tpu.memory_space<hbm>> -> memref<1000000x64xf32, #tpu.memory_space<hbm>>
    tpu.enqueue_indirect_dma source(%dma_start3A_31 : memref<1000000x64xf32, #tpu.memory_space<hbm>>) target(%dma_start3A_25 : memref<128x64xf32, #tpu.memory_space<vmem>>) offsets(%dma_start3A_28 : memref<128xi32, #tpu.memory_space<vmem>>) semaphore(%arg8 : memref<!tpu.dma_semaphore, #tpu.memory_space<semaphore_mem>>)
    %dma_start3A_32 = arith.constant 3 : i32
    %dma_start3A_33 = arith.constant 384 : i32
    %dma_start3A_34 = arith.constant 0 : i32
    %dma_start3A_35 = tpu.memref_slice %arg6[%dma_start3A_33, %dma_start3A_34] : memref<640x64xf32, #tpu.memory_space<vmem>> -> memref<128x64xf32, #tpu.memory_space<vmem>>
    %dma_start3A_36 = arith.constant 0 : i32
    %dma_start3A_37 = tpu.memref_slice %arg5[%dma_start3A_32, %dma_start3A_36] : memref<50x128xi32, #tpu.memory_space<vmem>> -> memref<1x128xi32, #tpu.memory_space<vmem>>
    %dma_start3A_38 = tpu.memref_squeeze %dma_start3A_37 : memref<1x128xi32, #tpu.memory_space<vmem>> -> memref<128xi32, #tpu.memory_space<vmem>>
    %dma_start3A_39 = arith.constant 0 : i32
    %dma_start3A_40 = arith.constant 0 : i32
    %dma_start3A_41 = tpu.memref_slice %arg2[%dma_start3A_39, %dma_start3A_40] : memref<1000000x64xf32, #tpu.memory_space<hbm>> -> memref<1000000x64xf32, #tpu.memory_space<hbm>>
    tpu.enqueue_indirect_dma source(%dma_start3A_41 : memref<1000000x64xf32, #tpu.memory_space<hbm>>) target(%dma_start3A_35 : memref<128x64xf32, #tpu.memory_space<vmem>>) offsets(%dma_start3A_38 : memref<128xi32, #tpu.memory_space<vmem>>) semaphore(%arg8 : memref<!tpu.dma_semaphore, #tpu.memory_space<semaphore_mem>>)
    %dma_start3A_42 = arith.constant 4 : i32
    %dma_start3A_43 = arith.constant 512 : i32
    %dma_start3A_44 = arith.constant 0 : i32
    %dma_start3A_45 = tpu.memref_slice %arg6[%dma_start3A_43, %dma_start3A_44] : memref<640x64xf32, #tpu.memory_space<vmem>> -> memref<128x64xf32, #tpu.memory_space<vmem>>
    %dma_start3A_46 = arith.constant 0 : i32
    %dma_start3A_47 = tpu.memref_slice %arg5[%dma_start3A_42, %dma_start3A_46] : memref<50x128xi32, #tpu.memory_space<vmem>> -> memref<1x128xi32, #tpu.memory_space<vmem>>
    %dma_start3A_48 = tpu.memref_squeeze %dma_start3A_47 : memref<1x128xi32, #tpu.memory_space<vmem>> -> memref<128xi32, #tpu.memory_space<vmem>>
    %dma_start3A_49 = arith.constant 0 : i32
    %dma_start3A_50 = arith.constant 0 : i32
    %dma_start3A_51 = tpu.memref_slice %arg2[%dma_start3A_49, %dma_start3A_50] : memref<1000000x64xf32, #tpu.memory_space<hbm>> -> memref<1000000x64xf32, #tpu.memory_space<hbm>>
    tpu.enqueue_indirect_dma source(%dma_start3A_51 : memref<1000000x64xf32, #tpu.memory_space<hbm>>) target(%dma_start3A_45 : memref<128x64xf32, #tpu.memory_space<vmem>>) offsets(%dma_start3A_48 : memref<128xi32, #tpu.memory_space<vmem>>) semaphore(%arg8 : memref<!tpu.dma_semaphore, #tpu.memory_space<semaphore_mem>>)
    %scan3A = arith.constant 0 : i32
    %scan3A_52 = arith.constant 0 : i32
    %scan3A_53 = arith.constant 5 : i32
    %scan3A_54 = arith.addi %scan3A_52, %scan3A_53 : i32
    %scan3A_55 = arith.constant 1 : i32
    scf.for %scan3A_68 = %scan3A_52 to %scan3A_54 step %scan3A_55  : i32 {
      %mul3A_69 = arith.constant 2 : i32
      %mul3A_70 = arith.muli %mul3A_69, %scan3A_68 : i32
      %add3A_71 = arith.constant 1 : i32
      %add3A_72 = arith.addi %mul3A_70, %add3A_71 : i32
      %gt3A = arith.constant 0 : i32
      %gt3A_73 = arith.cmpi sgt, %scan3A_68, %gt3A : i32
      %convert_element_type3A = arith.extui %gt3A_73 : i1 to i32
      %cond3A = arith.constant 0 : i32
      %cond3A_74 = arith.cmpi ne, %convert_element_type3A, %cond3A : i32
      scf.if %cond3A_74 {
        %mul3A_290 = arith.constant 640 : i32
        %mul3A_291 = arith.muli %add3A_72, %mul3A_290 : i32
        %add3A_292 = arith.addi %mul3A_2, %mul3A_291 : i32
        %dma_wait3A_293 = arith.constant 0 : i32
        %dma_wait3A_294 = tpu.memref_slice %arg4[%add3A_292, %dma_wait3A_293] : memref<204800x64xf32, #tpu.memory_space<hbm>> -> memref<640x64xf32, #tpu.memory_space<hbm>>
        %dma_wait3A_295 = arith.constant 0 : i32
        %dma_wait3A_296 = tpu.memref_slice %arg4[%add3A_292, %dma_wait3A_295] : memref<204800x64xf32, #tpu.memory_space<hbm>> -> memref<640x64xf32, #tpu.memory_space<hbm>>
        tpu.wait_dma2 semaphore(%arg11 : memref<!tpu.dma_semaphore, #tpu.memory_space<semaphore_mem>>) src(%arg7 : memref<640x64xf32, #tpu.memory_space<vmem>>) dst(%dma_wait3A_296 : memref<640x64xf32, #tpu.memory_space<hbm>>)
      } else {
      }
      %mul3A_75 = arith.constant 5 : i32
      %mul3A_76 = arith.muli %add3A_72, %mul3A_75 : i32
      %add3A_77 = arith.constant 0 : i32
      %add3A_78 = arith.addi %mul3A_76, %add3A_77 : i32
      %dma_start3A_79 = arith.constant 0 : i32
      %dma_start3A_80 = arith.constant 0 : i32
      %dma_start3A_81 = tpu.memref_slice %arg7[%dma_start3A_79, %dma_start3A_80] : memref<640x64xf32, #tpu.memory_space<vmem>> -> memref<128x64xf32, #tpu.memory_space<vmem>>
      %dma_start3A_82 = arith.constant 0 : i32
      %dma_start3A_83 = tpu.memref_slice %arg5[%add3A_78, %dma_start3A_82] : memref<50x128xi32, #tpu.memory_space<vmem>> -> memref<1x128xi32, #tpu.memory_space<vmem>>
      %dma_start3A_84 = tpu.memref_squeeze %dma_start3A_83 : memref<1x128xi32, #tpu.memory_space<vmem>> -> memref<128xi32, #tpu.memory_space<vmem>>
      %dma_start3A_85 = arith.constant 0 : i32
      %dma_start3A_86 = arith.constant 0 : i32
      %dma_start3A_87 = tpu.memref_slice %arg2[%dma_start3A_85, %dma_start3A_86] : memref<1000000x64xf32, #tpu.memory_space<hbm>> -> memref<1000000x64xf32, #tpu.memory_space<hbm>>
      tpu.enqueue_indirect_dma source(%dma_start3A_87 : memref<1000000x64xf32, #tpu.memory_space<hbm>>) target(%dma_start3A_81 : memref<128x64xf32, #tpu.memory_space<vmem>>) offsets(%dma_start3A_84 : memref<128xi32, #tpu.memory_space<vmem>>) semaphore(%arg9 : memref<!tpu.dma_semaphore, #tpu.memory_space<semaphore_mem>>)
      %mul3A_88 = arith.constant 5 : i32
      %mul3A_89 = arith.muli %add3A_72, %mul3A_88 : i32
      %add3A_90 = arith.constant 1 : i32
      %add3A_91 = arith.addi %mul3A_89, %add3A_90 : i32
      %dma_start3A_92 = arith.constant 128 : i32
      %dma_start3A_93 = arith.constant 0 : i32
      %dma_start3A_94 = tpu.memref_slice %arg7[%dma_start3A_92, %dma_start3A_93] : memref<640x64xf32, #tpu.memory_space<vmem>> -> memref<128x64xf32, #tpu.memory_space<vmem>>
      %dma_start3A_95 = arith.constant 0 : i32
      %dma_start3A_96 = tpu.memref_slice %arg5[%add3A_91, %dma_start3A_95] : memref<50x128xi32, #tpu.memory_space<vmem>> -> memref<1x128xi32, #tpu.memory_space<vmem>>
      %dma_start3A_97 = tpu.memref_squeeze %dma_start3A_96 : memref<1x128xi32, #tpu.memory_space<vmem>> -> memref<128xi32, #tpu.memory_space<vmem>>
      %dma_start3A_98 = arith.constant 0 : i32
      %dma_start3A_99 = arith.constant 0 : i32
      %dma_start3A_100 = tpu.memref_slice %arg2[%dma_start3A_98, %dma_start3A_99] : memref<1000000x64xf32, #tpu.memory_space<hbm>> -> memref<1000000x64xf32, #tpu.memory_space<hbm>>
      tpu.enqueue_indirect_dma source(%dma_start3A_100 : memref<1000000x64xf32, #tpu.memory_space<hbm>>) target(%dma_start3A_94 : memref<128x64xf32, #tpu.memory_space<vmem>>) offsets(%dma_start3A_97 : memref<128xi32, #tpu.memory_space<vmem>>) semaphore(%arg9 : memref<!tpu.dma_semaphore, #tpu.memory_space<semaphore_mem>>)
      %mul3A_101 = arith.constant 5 : i32
      %mul3A_102 = arith.muli %add3A_72, %mul3A_101 : i32
      %add3A_103 = arith.constant 2 : i32
      %add3A_104 = arith.addi %mul3A_102, %add3A_103 : i32
      %dma_start3A_105 = arith.constant 256 : i32
      %dma_start3A_106 = arith.constant 0 : i32
      %dma_start3A_107 = tpu.memref_slice %arg7[%dma_start3A_105, %dma_start3A_106] : memref<640x64xf32, #tpu.memory_space<vmem>> -> memref<128x64xf32, #tpu.memory_space<vmem>>
      %dma_start3A_108 = arith.constant 0 : i32
      %dma_start3A_109 = tpu.memref_slice %arg5[%add3A_104, %dma_start3A_108] : memref<50x128xi32, #tpu.memory_space<vmem>> -> memref<1x128xi32, #tpu.memory_space<vmem>>
      %dma_start3A_110 = tpu.memref_squeeze %dma_start3A_109 : memref<1x128xi32, #tpu.memory_space<vmem>> -> memref<128xi32, #tpu.memory_space<vmem>>
      %dma_start3A_111 = arith.constant 0 : i32
      %dma_start3A_112 = arith.constant 0 : i32
      %dma_start3A_113 = tpu.memref_slice %arg2[%dma_start3A_111, %dma_start3A_112] : memref<1000000x64xf32, #tpu.memory_space<hbm>> -> memref<1000000x64xf32, #tpu.memory_space<hbm>>
      tpu.enqueue_indirect_dma source(%dma_start3A_113 : memref<1000000x64xf32, #tpu.memory_space<hbm>>) target(%dma_start3A_107 : memref<128x64xf32, #tpu.memory_space<vmem>>) offsets(%dma_start3A_110 : memref<128xi32, #tpu.memory_space<vmem>>) semaphore(%arg9 : memref<!tpu.dma_semaphore, #tpu.memory_space<semaphore_mem>>)
      %mul3A_114 = arith.constant 5 : i32
      %mul3A_115 = arith.muli %add3A_72, %mul3A_114 : i32
      %add3A_116 = arith.constant 3 : i32
      %add3A_117 = arith.addi %mul3A_115, %add3A_116 : i32
      %dma_start3A_118 = arith.constant 384 : i32
      %dma_start3A_119 = arith.constant 0 : i32
      %dma_start3A_120 = tpu.memref_slice %arg7[%dma_start3A_118, %dma_start3A_119] : memref<640x64xf32, #tpu.memory_space<vmem>> -> memref<128x64xf32, #tpu.memory_space<vmem>>
      %dma_start3A_121 = arith.constant 0 : i32
      %dma_start3A_122 = tpu.memref_slice %arg5[%add3A_117, %dma_start3A_121] : memref<50x128xi32, #tpu.memory_space<vmem>> -> memref<1x128xi32, #tpu.memory_space<vmem>>
      %dma_start3A_123 = tpu.memref_squeeze %dma_start3A_122 : memref<1x128xi32, #tpu.memory_space<vmem>> -> memref<128xi32, #tpu.memory_space<vmem>>
      %dma_start3A_124 = arith.constant 0 : i32
      %dma_start3A_125 = arith.constant 0 : i32
      %dma_start3A_126 = tpu.memref_slice %arg2[%dma_start3A_124, %dma_start3A_125] : memref<1000000x64xf32, #tpu.memory_space<hbm>> -> memref<1000000x64xf32, #tpu.memory_space<hbm>>
      tpu.enqueue_indirect_dma source(%dma_start3A_126 : memref<1000000x64xf32, #tpu.memory_space<hbm>>) target(%dma_start3A_120 : memref<128x64xf32, #tpu.memory_space<vmem>>) offsets(%dma_start3A_123 : memref<128xi32, #tpu.memory_space<vmem>>) semaphore(%arg9 : memref<!tpu.dma_semaphore, #tpu.memory_space<semaphore_mem>>)
      %mul3A_127 = arith.constant 5 : i32
      %mul3A_128 = arith.muli %add3A_72, %mul3A_127 : i32
      %add3A_129 = arith.constant 4 : i32
      %add3A_130 = arith.addi %mul3A_128, %add3A_129 : i32
      %dma_start3A_131 = arith.constant 512 : i32
      %dma_start3A_132 = arith.constant 0 : i32
      %dma_start3A_133 = tpu.memref_slice %arg7[%dma_start3A_131, %dma_start3A_132] : memref<640x64xf32, #tpu.memory_space<vmem>> -> memref<128x64xf32, #tpu.memory_space<vmem>>
      %dma_start3A_134 = arith.constant 0 : i32
      %dma_start3A_135 = tpu.memref_slice %arg5[%add3A_130, %dma_start3A_134] : memref<50x128xi32, #tpu.memory_space<vmem>> -> memref<1x128xi32, #tpu.memory_space<vmem>>
      %dma_start3A_136 = tpu.memref_squeeze %dma_start3A_135 : memref<1x128xi32, #tpu.memory_space<vmem>> -> memref<128xi32, #tpu.memory_space<vmem>>
      %dma_start3A_137 = arith.constant 0 : i32
      %dma_start3A_138 = arith.constant 0 : i32
      %dma_start3A_139 = tpu.memref_slice %arg2[%dma_start3A_137, %dma_start3A_138] : memref<1000000x64xf32, #tpu.memory_space<hbm>> -> memref<1000000x64xf32, #tpu.memory_space<hbm>>
      tpu.enqueue_indirect_dma source(%dma_start3A_139 : memref<1000000x64xf32, #tpu.memory_space<hbm>>) target(%dma_start3A_133 : memref<128x64xf32, #tpu.memory_space<vmem>>) offsets(%dma_start3A_136 : memref<128xi32, #tpu.memory_space<vmem>>) semaphore(%arg9 : memref<!tpu.dma_semaphore, #tpu.memory_space<semaphore_mem>>)
      %mul3A_140 = arith.constant 5 : i32
      %mul3A_141 = arith.muli %mul3A_70, %mul3A_140 : i32
      %add3A_142 = arith.constant 0 : i32
      %add3A_143 = arith.addi %mul3A_141, %add3A_142 : i32
      %dma_wait3A_144 = arith.constant 0 : i32
      %dma_wait3A_145 = arith.constant 0 : i32
      %dma_wait3A_146 = tpu.memref_slice %arg6[%dma_wait3A_144, %dma_wait3A_145] : memref<640x64xf32, #tpu.memory_space<vmem>> -> memref<128x64xf32, #tpu.memory_space<vmem>>
      %dma_wait3A_147 = arith.constant 0 : i32
      %dma_wait3A_148 = tpu.memref_slice %arg5[%add3A_143, %dma_wait3A_147] : memref<50x128xi32, #tpu.memory_space<vmem>> -> memref<1x128xi32, #tpu.memory_space<vmem>>
      %dma_wait3A_149 = tpu.memref_squeeze %dma_wait3A_148 : memref<1x128xi32, #tpu.memory_space<vmem>> -> memref<128xi32, #tpu.memory_space<vmem>>
      %dma_wait3A_150 = arith.constant 0 : i32
      %dma_wait3A_151 = arith.constant 0 : i32
      %dma_wait3A_152 = tpu.memref_slice %arg2[%dma_wait3A_150, %dma_wait3A_151] : memref<1000000x64xf32, #tpu.memory_space<hbm>> -> memref<1000000x64xf32, #tpu.memory_space<hbm>>
      tpu.wait_indirect_dma semaphore(%arg8 : memref<!tpu.dma_semaphore, #tpu.memory_space<semaphore_mem>>) src(%dma_wait3A_152 : memref<1000000x64xf32, #tpu.memory_space<hbm>>) dst(%dma_wait3A_146 : memref<128x64xf32, #tpu.memory_space<vmem>>)
      %mul3A_153 = arith.constant 5 : i32
      %mul3A_154 = arith.muli %mul3A_70, %mul3A_153 : i32
      %add3A_155 = arith.constant 1 : i32
      %add3A_156 = arith.addi %mul3A_154, %add3A_155 : i32
      %dma_wait3A_157 = arith.constant 128 : i32
      %dma_wait3A_158 = arith.constant 0 : i32
      %dma_wait3A_159 = tpu.memref_slice %arg6[%dma_wait3A_157, %dma_wait3A_158] : memref<640x64xf32, #tpu.memory_space<vmem>> -> memref<128x64xf32, #tpu.memory_space<vmem>>
      %dma_wait3A_160 = arith.constant 0 : i32
      %dma_wait3A_161 = tpu.memref_slice %arg5[%add3A_156, %dma_wait3A_160] : memref<50x128xi32, #tpu.memory_space<vmem>> -> memref<1x128xi32, #tpu.memory_space<vmem>>
      %dma_wait3A_162 = tpu.memref_squeeze %dma_wait3A_161 : memref<1x128xi32, #tpu.memory_space<vmem>> -> memref<128xi32, #tpu.memory_space<vmem>>
      %dma_wait3A_163 = arith.constant 0 : i32
      %dma_wait3A_164 = arith.constant 0 : i32
      %dma_wait3A_165 = tpu.memref_slice %arg2[%dma_wait3A_163, %dma_wait3A_164] : memref<1000000x64xf32, #tpu.memory_space<hbm>> -> memref<1000000x64xf32, #tpu.memory_space<hbm>>
      tpu.wait_indirect_dma semaphore(%arg8 : memref<!tpu.dma_semaphore, #tpu.memory_space<semaphore_mem>>) src(%dma_wait3A_165 : memref<1000000x64xf32, #tpu.memory_space<hbm>>) dst(%dma_wait3A_159 : memref<128x64xf32, #tpu.memory_space<vmem>>)
      %mul3A_166 = arith.constant 5 : i32
      %mul3A_167 = arith.muli %mul3A_70, %mul3A_166 : i32
      %add3A_168 = arith.constant 2 : i32
      %add3A_169 = arith.addi %mul3A_167, %add3A_168 : i32
      %dma_wait3A_170 = arith.constant 256 : i32
      %dma_wait3A_171 = arith.constant 0 : i32
      %dma_wait3A_172 = tpu.memref_slice %arg6[%dma_wait3A_170, %dma_wait3A_171] : memref<640x64xf32, #tpu.memory_space<vmem>> -> memref<128x64xf32, #tpu.memory_space<vmem>>
      %dma_wait3A_173 = arith.constant 0 : i32
      %dma_wait3A_174 = tpu.memref_slice %arg5[%add3A_169, %dma_wait3A_173] : memref<50x128xi32, #tpu.memory_space<vmem>> -> memref<1x128xi32, #tpu.memory_space<vmem>>
      %dma_wait3A_175 = tpu.memref_squeeze %dma_wait3A_174 : memref<1x128xi32, #tpu.memory_space<vmem>> -> memref<128xi32, #tpu.memory_space<vmem>>
      %dma_wait3A_176 = arith.constant 0 : i32
      %dma_wait3A_177 = arith.constant 0 : i32
      %dma_wait3A_178 = tpu.memref_slice %arg2[%dma_wait3A_176, %dma_wait3A_177] : memref<1000000x64xf32, #tpu.memory_space<hbm>> -> memref<1000000x64xf32, #tpu.memory_space<hbm>>
      tpu.wait_indirect_dma semaphore(%arg8 : memref<!tpu.dma_semaphore, #tpu.memory_space<semaphore_mem>>) src(%dma_wait3A_178 : memref<1000000x64xf32, #tpu.memory_space<hbm>>) dst(%dma_wait3A_172 : memref<128x64xf32, #tpu.memory_space<vmem>>)
      %mul3A_179 = arith.constant 5 : i32
      %mul3A_180 = arith.muli %mul3A_70, %mul3A_179 : i32
      %add3A_181 = arith.constant 3 : i32
      %add3A_182 = arith.addi %mul3A_180, %add3A_181 : i32
      %dma_wait3A_183 = arith.constant 384 : i32
      %dma_wait3A_184 = arith.constant 0 : i32
      %dma_wait3A_185 = tpu.memref_slice %arg6[%dma_wait3A_183, %dma_wait3A_184] : memref<640x64xf32, #tpu.memory_space<vmem>> -> memref<128x64xf32, #tpu.memory_space<vmem>>
      %dma_wait3A_186 = arith.constant 0 : i32
      %dma_wait3A_187 = tpu.memref_slice %arg5[%add3A_182, %dma_wait3A_186] : memref<50x128xi32, #tpu.memory_space<vmem>> -> memref<1x128xi32, #tpu.memory_space<vmem>>
      %dma_wait3A_188 = tpu.memref_squeeze %dma_wait3A_187 : memref<1x128xi32, #tpu.memory_space<vmem>> -> memref<128xi32, #tpu.memory_space<vmem>>
      %dma_wait3A_189 = arith.constant 0 : i32
      %dma_wait3A_190 = arith.constant 0 : i32
      %dma_wait3A_191 = tpu.memref_slice %arg2[%dma_wait3A_189, %dma_wait3A_190] : memref<1000000x64xf32, #tpu.memory_space<hbm>> -> memref<1000000x64xf32, #tpu.memory_space<hbm>>
      tpu.wait_indirect_dma semaphore(%arg8 : memref<!tpu.dma_semaphore, #tpu.memory_space<semaphore_mem>>) src(%dma_wait3A_191 : memref<1000000x64xf32, #tpu.memory_space<hbm>>) dst(%dma_wait3A_185 : memref<128x64xf32, #tpu.memory_space<vmem>>)
      %mul3A_192 = arith.constant 5 : i32
      %mul3A_193 = arith.muli %mul3A_70, %mul3A_192 : i32
      %add3A_194 = arith.constant 4 : i32
      %add3A_195 = arith.addi %mul3A_193, %add3A_194 : i32
      %dma_wait3A_196 = arith.constant 512 : i32
      %dma_wait3A_197 = arith.constant 0 : i32
      %dma_wait3A_198 = tpu.memref_slice %arg6[%dma_wait3A_196, %dma_wait3A_197] : memref<640x64xf32, #tpu.memory_space<vmem>> -> memref<128x64xf32, #tpu.memory_space<vmem>>
      %dma_wait3A_199 = arith.constant 0 : i32
      %dma_wait3A_200 = tpu.memref_slice %arg5[%add3A_195, %dma_wait3A_199] : memref<50x128xi32, #tpu.memory_space<vmem>> -> memref<1x128xi32, #tpu.memory_space<vmem>>
      %dma_wait3A_201 = tpu.memref_squeeze %dma_wait3A_200 : memref<1x128xi32, #tpu.memory_space<vmem>> -> memref<128xi32, #tpu.memory_space<vmem>>
      %dma_wait3A_202 = arith.constant 0 : i32
      %dma_wait3A_203 = arith.constant 0 : i32
      %dma_wait3A_204 = tpu.memref_slice %arg2[%dma_wait3A_202, %dma_wait3A_203] : memref<1000000x64xf32, #tpu.memory_space<hbm>> -> memref<1000000x64xf32, #tpu.memory_space<hbm>>
      tpu.wait_indirect_dma semaphore(%arg8 : memref<!tpu.dma_semaphore, #tpu.memory_space<semaphore_mem>>) src(%dma_wait3A_204 : memref<1000000x64xf32, #tpu.memory_space<hbm>>) dst(%dma_wait3A_198 : memref<128x64xf32, #tpu.memory_space<vmem>>)
      %mul3A_205 = arith.constant 640 : i32
      %mul3A_206 = arith.muli %mul3A_70, %mul3A_205 : i32
      %add3A_207 = arith.addi %mul3A_2, %mul3A_206 : i32
      %dma_start3A_208 = arith.constant 0 : i32
      %dma_start3A_209 = tpu.memref_slice %arg4[%add3A_207, %dma_start3A_208] : memref<204800x64xf32, #tpu.memory_space<hbm>> -> memref<640x64xf32, #tpu.memory_space<hbm>>
      %dma_start3A_210 = arith.constant 0 : i32
      %dma_start3A_211 = tpu.memref_slice %arg4[%add3A_207, %dma_start3A_210] : memref<204800x64xf32, #tpu.memory_space<hbm>> -> memref<640x64xf32, #tpu.memory_space<hbm>>
      tpu.enqueue_dma source(%arg6 : memref<640x64xf32, #tpu.memory_space<vmem>>) target(%dma_start3A_211 : memref<640x64xf32, #tpu.memory_space<hbm>>) target_semaphore(%arg10 : memref<!tpu.dma_semaphore, #tpu.memory_space<semaphore_mem>>)
      %add3A_212 = arith.constant 1 : i32
      %add3A_213 = arith.addi %scan3A_68, %add3A_212 : i32
      %lt3A = arith.constant 5 : i32
      %lt3A_214 = arith.cmpi slt, %add3A_213, %lt3A : i32
      %convert_element_type3A_215 = arith.extui %lt3A_214 : i1 to i32
      %cond3A_216 = arith.constant 0 : i32
      %cond3A_217 = arith.cmpi ne, %convert_element_type3A_215, %cond3A_216 : i32
      scf.if %cond3A_217 {
        %mul3A_290 = arith.constant 640 : i32
        %mul3A_291 = arith.muli %mul3A_70, %mul3A_290 : i32
        %add3A_292 = arith.addi %mul3A_2, %mul3A_291 : i32
        %dma_wait3A_293 = arith.constant 0 : i32
        %dma_wait3A_294 = tpu.memref_slice %arg4[%add3A_292, %dma_wait3A_293] : memref<204800x64xf32, #tpu.memory_space<hbm>> -> memref<640x64xf32, #tpu.memory_space<hbm>>
        %dma_wait3A_295 = arith.constant 0 : i32
        %dma_wait3A_296 = tpu.memref_slice %arg4[%add3A_292, %dma_wait3A_295] : memref<204800x64xf32, #tpu.memory_space<hbm>> -> memref<640x64xf32, #tpu.memory_space<hbm>>
        tpu.wait_dma2 semaphore(%arg10 : memref<!tpu.dma_semaphore, #tpu.memory_space<semaphore_mem>>) src(%arg6 : memref<640x64xf32, #tpu.memory_space<vmem>>) dst(%dma_wait3A_296 : memref<640x64xf32, #tpu.memory_space<hbm>>)
        %add3A_297 = arith.constant 2 : i32
        %add3A_298 = arith.addi %mul3A_70, %add3A_297 : i32
        %mul3A_299 = arith.constant 5 : i32
        %mul3A_300 = arith.muli %add3A_298, %mul3A_299 : i32
        %add3A_301 = arith.constant 0 : i32
        %add3A_302 = arith.addi %mul3A_300, %add3A_301 : i32
        %dma_start3A_303 = arith.constant 0 : i32
        %dma_start3A_304 = arith.constant 0 : i32
        %dma_start3A_305 = tpu.memref_slice %arg6[%dma_start3A_303, %dma_start3A_304] : memref<640x64xf32, #tpu.memory_space<vmem>> -> memref<128x64xf32, #tpu.memory_space<vmem>>
        %dma_start3A_306 = arith.constant 0 : i32
        %dma_start3A_307 = tpu.memref_slice %arg5[%add3A_302, %dma_start3A_306] : memref<50x128xi32, #tpu.memory_space<vmem>> -> memref<1x128xi32, #tpu.memory_space<vmem>>
        %dma_start3A_308 = tpu.memref_squeeze %dma_start3A_307 : memref<1x128xi32, #tpu.memory_space<vmem>> -> memref<128xi32, #tpu.memory_space<vmem>>
        %dma_start3A_309 = arith.constant 0 : i32
        %dma_start3A_310 = arith.constant 0 : i32
        %dma_start3A_311 = tpu.memref_slice %arg2[%dma_start3A_309, %dma_start3A_310] : memref<1000000x64xf32, #tpu.memory_space<hbm>> -> memref<1000000x64xf32, #tpu.memory_space<hbm>>
        tpu.enqueue_indirect_dma source(%dma_start3A_311 : memref<1000000x64xf32, #tpu.memory_space<hbm>>) target(%dma_start3A_305 : memref<128x64xf32, #tpu.memory_space<vmem>>) offsets(%dma_start3A_308 : memref<128xi32, #tpu.memory_space<vmem>>) semaphore(%arg8 : memref<!tpu.dma_semaphore, #tpu.memory_space<semaphore_mem>>)
        %mul3A_312 = arith.constant 5 : i32
        %mul3A_313 = arith.muli %add3A_298, %mul3A_312 : i32
        %add3A_314 = arith.constant 1 : i32
        %add3A_315 = arith.addi %mul3A_313, %add3A_314 : i32
        %dma_start3A_316 = arith.constant 128 : i32
        %dma_start3A_317 = arith.constant 0 : i32
        %dma_start3A_318 = tpu.memref_slice %arg6[%dma_start3A_316, %dma_start3A_317] : memref<640x64xf32, #tpu.memory_space<vmem>> -> memref<128x64xf32, #tpu.memory_space<vmem>>
        %dma_start3A_319 = arith.constant 0 : i32
        %dma_start3A_320 = tpu.memref_slice %arg5[%add3A_315, %dma_start3A_319] : memref<50x128xi32, #tpu.memory_space<vmem>> -> memref<1x128xi32, #tpu.memory_space<vmem>>
        %dma_start3A_321 = tpu.memref_squeeze %dma_start3A_320 : memref<1x128xi32, #tpu.memory_space<vmem>> -> memref<128xi32, #tpu.memory_space<vmem>>
        %dma_start3A_322 = arith.constant 0 : i32
        %dma_start3A_323 = arith.constant 0 : i32
        %dma_start3A_324 = tpu.memref_slice %arg2[%dma_start3A_322, %dma_start3A_323] : memref<1000000x64xf32, #tpu.memory_space<hbm>> -> memref<1000000x64xf32, #tpu.memory_space<hbm>>
        tpu.enqueue_indirect_dma source(%dma_start3A_324 : memref<1000000x64xf32, #tpu.memory_space<hbm>>) target(%dma_start3A_318 : memref<128x64xf32, #tpu.memory_space<vmem>>) offsets(%dma_start3A_321 : memref<128xi32, #tpu.memory_space<vmem>>) semaphore(%arg8 : memref<!tpu.dma_semaphore, #tpu.memory_space<semaphore_mem>>)
        %mul3A_325 = arith.constant 5 : i32
        %mul3A_326 = arith.muli %add3A_298, %mul3A_325 : i32
        %add3A_327 = arith.constant 2 : i32
        %add3A_328 = arith.addi %mul3A_326, %add3A_327 : i32
        %dma_start3A_329 = arith.constant 256 : i32
        %dma_start3A_330 = arith.constant 0 : i32
        %dma_start3A_331 = tpu.memref_slice %arg6[%dma_start3A_329, %dma_start3A_330] : memref<640x64xf32, #tpu.memory_space<vmem>> -> memref<128x64xf32, #tpu.memory_space<vmem>>
        %dma_start3A_332 = arith.constant 0 : i32
        %dma_start3A_333 = tpu.memref_slice %arg5[%add3A_328, %dma_start3A_332] : memref<50x128xi32, #tpu.memory_space<vmem>> -> memref<1x128xi32, #tpu.memory_space<vmem>>
        %dma_start3A_334 = tpu.memref_squeeze %dma_start3A_333 : memref<1x128xi32, #tpu.memory_space<vmem>> -> memref<128xi32, #tpu.memory_space<vmem>>
        %dma_start3A_335 = arith.constant 0 : i32
        %dma_start3A_336 = arith.constant 0 : i32
        %dma_start3A_337 = tpu.memref_slice %arg2[%dma_start3A_335, %dma_start3A_336] : memref<1000000x64xf32, #tpu.memory_space<hbm>> -> memref<1000000x64xf32, #tpu.memory_space<hbm>>
        tpu.enqueue_indirect_dma source(%dma_start3A_337 : memref<1000000x64xf32, #tpu.memory_space<hbm>>) target(%dma_start3A_331 : memref<128x64xf32, #tpu.memory_space<vmem>>) offsets(%dma_start3A_334 : memref<128xi32, #tpu.memory_space<vmem>>) semaphore(%arg8 : memref<!tpu.dma_semaphore, #tpu.memory_space<semaphore_mem>>)
        %mul3A_338 = arith.constant 5 : i32
        %mul3A_339 = arith.muli %add3A_298, %mul3A_338 : i32
        %add3A_340 = arith.constant 3 : i32
        %add3A_341 = arith.addi %mul3A_339, %add3A_340 : i32
        %dma_start3A_342 = arith.constant 384 : i32
        %dma_start3A_343 = arith.constant 0 : i32
        %dma_start3A_344 = tpu.memref_slice %arg6[%dma_start3A_342, %dma_start3A_343] : memref<640x64xf32, #tpu.memory_space<vmem>> -> memref<128x64xf32, #tpu.memory_space<vmem>>
        %dma_start3A_345 = arith.constant 0 : i32
        %dma_start3A_346 = tpu.memref_slice %arg5[%add3A_341, %dma_start3A_345] : memref<50x128xi32, #tpu.memory_space<vmem>> -> memref<1x128xi32, #tpu.memory_space<vmem>>
        %dma_start3A_347 = tpu.memref_squeeze %dma_start3A_346 : memref<1x128xi32, #tpu.memory_space<vmem>> -> memref<128xi32, #tpu.memory_space<vmem>>
        %dma_start3A_348 = arith.constant 0 : i32
        %dma_start3A_349 = arith.constant 0 : i32
        %dma_start3A_350 = tpu.memref_slice %arg2[%dma_start3A_348, %dma_start3A_349] : memref<1000000x64xf32, #tpu.memory_space<hbm>> -> memref<1000000x64xf32, #tpu.memory_space<hbm>>
        tpu.enqueue_indirect_dma source(%dma_start3A_350 : memref<1000000x64xf32, #tpu.memory_space<hbm>>) target(%dma_start3A_344 : memref<128x64xf32, #tpu.memory_space<vmem>>) offsets(%dma_start3A_347 : memref<128xi32, #tpu.memory_space<vmem>>) semaphore(%arg8 : memref<!tpu.dma_semaphore, #tpu.memory_space<semaphore_mem>>)
        %mul3A_351 = arith.constant 5 : i32
        %mul3A_352 = arith.muli %add3A_298, %mul3A_351 : i32
        %add3A_353 = arith.constant 4 : i32
        %add3A_354 = arith.addi %mul3A_352, %add3A_353 : i32
        %dma_start3A_355 = arith.constant 512 : i32
        %dma_start3A_356 = arith.constant 0 : i32
        %dma_start3A_357 = tpu.memref_slice %arg6[%dma_start3A_355, %dma_start3A_356] : memref<640x64xf32, #tpu.memory_space<vmem>> -> memref<128x64xf32, #tpu.memory_space<vmem>>
        %dma_start3A_358 = arith.constant 0 : i32
        %dma_start3A_359 = tpu.memref_slice %arg5[%add3A_354, %dma_start3A_358] : memref<50x128xi32, #tpu.memory_space<vmem>> -> memref<1x128xi32, #tpu.memory_space<vmem>>
        %dma_start3A_360 = tpu.memref_squeeze %dma_start3A_359 : memref<1x128xi32, #tpu.memory_space<vmem>> -> memref<128xi32, #tpu.memory_space<vmem>>
        %dma_start3A_361 = arith.constant 0 : i32
        %dma_start3A_362 = arith.constant 0 : i32
        %dma_start3A_363 = tpu.memref_slice %arg2[%dma_start3A_361, %dma_start3A_362] : memref<1000000x64xf32, #tpu.memory_space<hbm>> -> memref<1000000x64xf32, #tpu.memory_space<hbm>>
        tpu.enqueue_indirect_dma source(%dma_start3A_363 : memref<1000000x64xf32, #tpu.memory_space<hbm>>) target(%dma_start3A_357 : memref<128x64xf32, #tpu.memory_space<vmem>>) offsets(%dma_start3A_360 : memref<128xi32, #tpu.memory_space<vmem>>) semaphore(%arg8 : memref<!tpu.dma_semaphore, #tpu.memory_space<semaphore_mem>>)
      } else {
      }
      %mul3A_218 = arith.constant 5 : i32
      %mul3A_219 = arith.muli %add3A_72, %mul3A_218 : i32
      %add3A_220 = arith.constant 0 : i32
      %add3A_221 = arith.addi %mul3A_219, %add3A_220 : i32
      %dma_wait3A_222 = arith.constant 0 : i32
      %dma_wait3A_223 = arith.constant 0 : i32
      %dma_wait3A_224 = tpu.memref_slice %arg7[%dma_wait3A_222, %dma_wait3A_223] : memref<640x64xf32, #tpu.memory_space<vmem>> -> memref<128x64xf32, #tpu.memory_space<vmem>>
      %dma_wait3A_225 = arith.constant 0 : i32
      %dma_wait3A_226 = tpu.memref_slice %arg5[%add3A_221, %dma_wait3A_225] : memref<50x128xi32, #tpu.memory_space<vmem>> -> memref<1x128xi32, #tpu.memory_space<vmem>>
      %dma_wait3A_227 = tpu.memref_squeeze %dma_wait3A_226 : memref<1x128xi32, #tpu.memory_space<vmem>> -> memref<128xi32, #tpu.memory_space<vmem>>
      %dma_wait3A_228 = arith.constant 0 : i32
      %dma_wait3A_229 = arith.constant 0 : i32
      %dma_wait3A_230 = tpu.memref_slice %arg2[%dma_wait3A_228, %dma_wait3A_229] : memref<1000000x64xf32, #tpu.memory_space<hbm>> -> memref<1000000x64xf32, #tpu.memory_space<hbm>>
      tpu.wait_indirect_dma semaphore(%arg9 : memref<!tpu.dma_semaphore, #tpu.memory_space<semaphore_mem>>) src(%dma_wait3A_230 : memref<1000000x64xf32, #tpu.memory_space<hbm>>) dst(%dma_wait3A_224 : memref<128x64xf32, #tpu.memory_space<vmem>>)
      %mul3A_231 = arith.constant 5 : i32
      %mul3A_232 = arith.muli %add3A_72, %mul3A_231 : i32
      %add3A_233 = arith.constant 1 : i32
      %add3A_234 = arith.addi %mul3A_232, %add3A_233 : i32
      %dma_wait3A_235 = arith.constant 128 : i32
      %dma_wait3A_236 = arith.constant 0 : i32
      %dma_wait3A_237 = tpu.memref_slice %arg7[%dma_wait3A_235, %dma_wait3A_236] : memref<640x64xf32, #tpu.memory_space<vmem>> -> memref<128x64xf32, #tpu.memory_space<vmem>>
      %dma_wait3A_238 = arith.constant 0 : i32
      %dma_wait3A_239 = tpu.memref_slice %arg5[%add3A_234, %dma_wait3A_238] : memref<50x128xi32, #tpu.memory_space<vmem>> -> memref<1x128xi32, #tpu.memory_space<vmem>>
      %dma_wait3A_240 = tpu.memref_squeeze %dma_wait3A_239 : memref<1x128xi32, #tpu.memory_space<vmem>> -> memref<128xi32, #tpu.memory_space<vmem>>
      %dma_wait3A_241 = arith.constant 0 : i32
      %dma_wait3A_242 = arith.constant 0 : i32
      %dma_wait3A_243 = tpu.memref_slice %arg2[%dma_wait3A_241, %dma_wait3A_242] : memref<1000000x64xf32, #tpu.memory_space<hbm>> -> memref<1000000x64xf32, #tpu.memory_space<hbm>>
      tpu.wait_indirect_dma semaphore(%arg9 : memref<!tpu.dma_semaphore, #tpu.memory_space<semaphore_mem>>) src(%dma_wait3A_243 : memref<1000000x64xf32, #tpu.memory_space<hbm>>) dst(%dma_wait3A_237 : memref<128x64xf32, #tpu.memory_space<vmem>>)
      %mul3A_244 = arith.constant 5 : i32
      %mul3A_245 = arith.muli %add3A_72, %mul3A_244 : i32
      %add3A_246 = arith.constant 2 : i32
      %add3A_247 = arith.addi %mul3A_245, %add3A_246 : i32
      %dma_wait3A_248 = arith.constant 256 : i32
      %dma_wait3A_249 = arith.constant 0 : i32
      %dma_wait3A_250 = tpu.memref_slice %arg7[%dma_wait3A_248, %dma_wait3A_249] : memref<640x64xf32, #tpu.memory_space<vmem>> -> memref<128x64xf32, #tpu.memory_space<vmem>>
      %dma_wait3A_251 = arith.constant 0 : i32
      %dma_wait3A_252 = tpu.memref_slice %arg5[%add3A_247, %dma_wait3A_251] : memref<50x128xi32, #tpu.memory_space<vmem>> -> memref<1x128xi32, #tpu.memory_space<vmem>>
      %dma_wait3A_253 = tpu.memref_squeeze %dma_wait3A_252 : memref<1x128xi32, #tpu.memory_space<vmem>> -> memref<128xi32, #tpu.memory_space<vmem>>
      %dma_wait3A_254 = arith.constant 0 : i32
      %dma_wait3A_255 = arith.constant 0 : i32
      %dma_wait3A_256 = tpu.memref_slice %arg2[%dma_wait3A_254, %dma_wait3A_255] : memref<1000000x64xf32, #tpu.memory_space<hbm>> -> memref<1000000x64xf32, #tpu.memory_space<hbm>>
      tpu.wait_indirect_dma semaphore(%arg9 : memref<!tpu.dma_semaphore, #tpu.memory_space<semaphore_mem>>) src(%dma_wait3A_256 : memref<1000000x64xf32, #tpu.memory_space<hbm>>) dst(%dma_wait3A_250 : memref<128x64xf32, #tpu.memory_space<vmem>>)
      %mul3A_257 = arith.constant 5 : i32
      %mul3A_258 = arith.muli %add3A_72, %mul3A_257 : i32
      %add3A_259 = arith.constant 3 : i32
      %add3A_260 = arith.addi %mul3A_258, %add3A_259 : i32
      %dma_wait3A_261 = arith.constant 384 : i32
      %dma_wait3A_262 = arith.constant 0 : i32
      %dma_wait3A_263 = tpu.memref_slice %arg7[%dma_wait3A_261, %dma_wait3A_262] : memref<640x64xf32, #tpu.memory_space<vmem>> -> memref<128x64xf32, #tpu.memory_space<vmem>>
      %dma_wait3A_264 = arith.constant 0 : i32
      %dma_wait3A_265 = tpu.memref_slice %arg5[%add3A_260, %dma_wait3A_264] : memref<50x128xi32, #tpu.memory_space<vmem>> -> memref<1x128xi32, #tpu.memory_space<vmem>>
      %dma_wait3A_266 = tpu.memref_squeeze %dma_wait3A_265 : memref<1x128xi32, #tpu.memory_space<vmem>> -> memref<128xi32, #tpu.memory_space<vmem>>
      %dma_wait3A_267 = arith.constant 0 : i32
      %dma_wait3A_268 = arith.constant 0 : i32
      %dma_wait3A_269 = tpu.memref_slice %arg2[%dma_wait3A_267, %dma_wait3A_268] : memref<1000000x64xf32, #tpu.memory_space<hbm>> -> memref<1000000x64xf32, #tpu.memory_space<hbm>>
      tpu.wait_indirect_dma semaphore(%arg9 : memref<!tpu.dma_semaphore, #tpu.memory_space<semaphore_mem>>) src(%dma_wait3A_269 : memref<1000000x64xf32, #tpu.memory_space<hbm>>) dst(%dma_wait3A_263 : memref<128x64xf32, #tpu.memory_space<vmem>>)
      %mul3A_270 = arith.constant 5 : i32
      %mul3A_271 = arith.muli %add3A_72, %mul3A_270 : i32
      %add3A_272 = arith.constant 4 : i32
      %add3A_273 = arith.addi %mul3A_271, %add3A_272 : i32
      %dma_wait3A_274 = arith.constant 512 : i32
      %dma_wait3A_275 = arith.constant 0 : i32
      %dma_wait3A_276 = tpu.memref_slice %arg7[%dma_wait3A_274, %dma_wait3A_275] : memref<640x64xf32, #tpu.memory_space<vmem>> -> memref<128x64xf32, #tpu.memory_space<vmem>>
      %dma_wait3A_277 = arith.constant 0 : i32
      %dma_wait3A_278 = tpu.memref_slice %arg5[%add3A_273, %dma_wait3A_277] : memref<50x128xi32, #tpu.memory_space<vmem>> -> memref<1x128xi32, #tpu.memory_space<vmem>>
      %dma_wait3A_279 = tpu.memref_squeeze %dma_wait3A_278 : memref<1x128xi32, #tpu.memory_space<vmem>> -> memref<128xi32, #tpu.memory_space<vmem>>
      %dma_wait3A_280 = arith.constant 0 : i32
      %dma_wait3A_281 = arith.constant 0 : i32
      %dma_wait3A_282 = tpu.memref_slice %arg2[%dma_wait3A_280, %dma_wait3A_281] : memref<1000000x64xf32, #tpu.memory_space<hbm>> -> memref<1000000x64xf32, #tpu.memory_space<hbm>>
      tpu.wait_indirect_dma semaphore(%arg9 : memref<!tpu.dma_semaphore, #tpu.memory_space<semaphore_mem>>) src(%dma_wait3A_282 : memref<1000000x64xf32, #tpu.memory_space<hbm>>) dst(%dma_wait3A_276 : memref<128x64xf32, #tpu.memory_space<vmem>>)
      %mul3A_283 = arith.constant 640 : i32
      %mul3A_284 = arith.muli %add3A_72, %mul3A_283 : i32
      %add3A_285 = arith.addi %mul3A_2, %mul3A_284 : i32
      %dma_start3A_286 = arith.constant 0 : i32
      %dma_start3A_287 = tpu.memref_slice %arg4[%add3A_285, %dma_start3A_286] : memref<204800x64xf32, #tpu.memory_space<hbm>> -> memref<640x64xf32, #tpu.memory_space<hbm>>
      %dma_start3A_288 = arith.constant 0 : i32
      %dma_start3A_289 = tpu.memref_slice %arg4[%add3A_285, %dma_start3A_288] : memref<204800x64xf32, #tpu.memory_space<hbm>> -> memref<640x64xf32, #tpu.memory_space<hbm>>
      tpu.enqueue_dma source(%arg7 : memref<640x64xf32, #tpu.memory_space<vmem>>) target(%dma_start3A_289 : memref<640x64xf32, #tpu.memory_space<hbm>>) target_semaphore(%arg11 : memref<!tpu.dma_semaphore, #tpu.memory_space<semaphore_mem>>)
    }
    %scan3A_56 = arith.constant 5 : i32
    %add3A_57 = arith.constant 0 : i32
    %add3A_58 = arith.addi %mul3A_2, %add3A_57 : i32
    %dma_wait3A = arith.constant 0 : i32
    %dma_wait3A_59 = tpu.memref_slice %arg4[%add3A_58, %dma_wait3A] : memref<204800x64xf32, #tpu.memory_space<hbm>> -> memref<640x64xf32, #tpu.memory_space<hbm>>
    %dma_wait3A_60 = arith.constant 0 : i32
    %dma_wait3A_61 = tpu.memref_slice %arg4[%add3A_58, %dma_wait3A_60] : memref<204800x64xf32, #tpu.memory_space<hbm>> -> memref<640x64xf32, #tpu.memory_space<hbm>>
    tpu.wait_dma2 semaphore(%arg10 : memref<!tpu.dma_semaphore, #tpu.memory_space<semaphore_mem>>) src(%arg6 : memref<640x64xf32, #tpu.memory_space<vmem>>) dst(%dma_wait3A_61 : memref<640x64xf32, #tpu.memory_space<hbm>>)
    %add3A_62 = arith.constant 0 : i32
    %add3A_63 = arith.addi %mul3A_2, %add3A_62 : i32
    %dma_wait3A_64 = arith.constant 0 : i32
    %dma_wait3A_65 = tpu.memref_slice %arg4[%add3A_63, %dma_wait3A_64] : memref<204800x64xf32, #tpu.memory_space<hbm>> -> memref<640x64xf32, #tpu.memory_space<hbm>>
    %dma_wait3A_66 = arith.constant 0 : i32
    %dma_wait3A_67 = tpu.memref_slice %arg4[%add3A_63, %dma_wait3A_66] : memref<204800x64xf32, #tpu.memory_space<hbm>> -> memref<640x64xf32, #tpu.memory_space<hbm>>
    tpu.wait_dma2 semaphore(%arg11 : memref<!tpu.dma_semaphore, #tpu.memory_space<semaphore_mem>>) src(%arg7 : memref<640x64xf32, #tpu.memory_space<vmem>>) dst(%dma_wait3A_67 : memref<640x64xf32, #tpu.memory_space<hbm>>)
    return
  }
}

</mosaic_0001>

<sc_bundles>
// kernel: kernel.4.cloned.1.call-start
scs
__scs_entry_jumppad:
0x0: {  	(pc) =	sbr.rel $0x88, $3  }
0x1: {  	(tag) =	ssettag $0x0;
	lr =	simm.s32 $0x1  }
0x2: {  	[smem:$0x3F9F] =	sst lr;
	_ =	strace $0xD0000000  }
0x3: {  	_ = 	snop  }
0x4: {  	_ = 	snop  }
0x5: {  	_ = 	snop  }
0x6: {  	_ = 	snop  }
0x7: {  	_ = 	snop  }
__scs_overlays_trampoline_lowered:
0x8: {  	[smem:$0x3FAE] =	sst s0  }
0x9: {  	[smem:$0x3FAF] =	sst s1  }
0xa: {  	[smem:$0x3FB0] =	sst s2  }
0xb: {  	[smem:$0x3FB1] =	sst s3  }
0xc: {  	[smem:$0x3FB2] =	sst s4  }
0xd: {  	[smem:$0x3FB3] =	sst s5  }
0xe: {  	[smem:$0x3FB4] =	sst s6  }
0xf: {  	[smem:$0x3FB5] =	sst s7  }
0x10: {  	[smem:$0x3FB6] =	sst s8  }
0x11: {  	[smem:$0x3FB7] =	sst s9;
	s0 =	simm.s32 @!p0 $0x0  }
0x12: {  	s1 =	sld [smem:$0x3F9D];
	s0 =	simm.s32 @p0 $0x1  }
0x13: {  	[smem:$0x3FB8] =	sst s0;
	s0 =	simm.s32 @!p1 $0x0  }
0x14: {  	s2 =	sld [smem:$0x3F9C];
	s0 =	simm.s32 @p1 $0x1  }
0x15: {  	[smem:$0x3FB9] =	sst s0;
	s0 =	simm.s32 @!p2 $0x0  }
0x16: {  	s3 =	sld [smem:$0x3FDB];
	s0 =	simm.s32 @p2 $0x1  }
0x17: {  	s4 =	simm.s32 $0x1BF5;
	[smem:$0x3FBB] =	sst s0  }
0x18: {  	s0 =	sld [smem:$0x3F9E];
	_ =	swait.ge [sflag:s4], $0x0  }
0x19: {  	s7 =	sld [smem:$0x3F9F]  }
0x1a: {  	s8 =	sadd.s32 $0xFFFFE003, lr  }
0x1b: {  	s9 =	sadd.s32 $0xFFFFFEF7, lr;
	s5 =	simm.s32 $0xFFFFFFFF;
	p2 =	slt.u32 s8, $0xFFFFF086  }
0x1c: {  	p1 =	slt.u32 s9, $0xF7A;
	s5 =	simm.s32 @!p2 $0x0  }
0x1d: {  	s5 =	simm.s32 @p1 $0x1;
	p0 =	seq.s32 s7, s2  }
0x1e: {  	s7 =	smul.u32 @!p0 $0xF7A, s2;
	p2 =	seq.s32 @!p0 s5, $0x0  }
0x1f: {  	s9 =	smul.u32 $0xF7A, s1;
	s8 =	simm.s32 @!p0 $0x1BF5;
	p2 =	por !p2, p0  }
0x20: {  	[sflag:s8] =	ssyncset.s32 @!p0 $0xFFFFF086;
	s6 =	sadd.s32 @!p0 s3, s7;
	s7 =	simm.s32 @!p0 $0x108  }
0x21: {  	s3 =	sadd.s32 s3, s9;
	s6 =	sadd.s32 @!p0 $0x88, s6;
	s7 =	simm.s32 @p2 $0x1082  }
0x22: {  	[simem:s7], [sflag:s8] =	dma.local @!p0 [hbm:s6], $0xF7A  }
0x23: {  	s9 =	sor.u32 $0xD0000000, s2;
	s6 =	simm.s32 $0x108;
	_ =	swait.ge @!p0 [sflag:s8], $0x0  }
0x24: {  	s3 =	sadd.s32 $0x88, s3;
	s6 =	simm.s32 @!p1 $0x1082;
	[sflag:s4] =	ssyncset.s32 $0xFFFFF086  }
0x25: {  	[simem:s6], [sflag:s4] =	dma.local [hbm:s3], $0xF7A  }
0x26: {  	[smem:$0x3F9F] =	sst s1;
	(tag) =	ssettag s2;
	_ =	strace s9  }
0x27: {  	s1 =	sld [smem:$0x3FAF]  }
0x28: {  	s2 =	sld [smem:$0x3FB0]  }
0x29: {  	s4 =	sld [smem:$0x3FB2]  }
0x2a: {  	p0 =	seq.s32 s5, $0x0;
	s5 =	sld [smem:$0x3FB3]  }
0x2b: {  	s6 =	sld [smem:$0x3FB4]  }
0x2c: {  	s7 =	sld [smem:$0x3FB5]  }
0x2d: {  	s3 =	simm.s32 $0x108;
	s8 =	sld [smem:$0x3FB6]  }
0x2e: {  	s3 =	simm.s32 @!p0 $0x1082;
	s9 =	sld [smem:$0x3FB7]  }
0x2f: {  	lr =	sadd.s32 s0, s3;
	s0 =	sld [smem:$0x3FAE]  }
0x30: {  	s3 =	sld [smem:$0x3FB1]  }
0x31: {  	[smem:$0x3FBA] =	sst s10  }
0x32: {  	s10 =	sld [smem:$0x3FB8];
	_ =	sdelay $0x3  }
0x33: {  	p0 =	seq.s32 s10, $0x1;
	s10 =	sld [smem:$0x3FBA];
	_ =	sdelay $0x3  }
0x34: {  	[smem:$0x3FBA] =	sst s10  }
0x35: {  	s10 =	sld [smem:$0x3FB9];
	_ =	sdelay $0x3  }
0x36: {  	p1 =	seq.s32 s10, $0x1;
	s10 =	sld [smem:$0x3FBA];
	_ =	sdelay $0x3  }
0x37: {  	[smem:$0x3FBA] =	sst s10  }
0x38: {  	s10 =	sld [smem:$0x3FBB]  }
0x39: {  	_ = 	snop;
	(pc) =	sbr.ind lr, $3  }
0x3a: {  	_ = 	snop  }
0x3b: {  	_ = 	snop  }
0x3c: {  	p2 =	seq.s32 s10, $0x1;
	s10 =	sld [smem:$0x3FBA]  }
0x3d: {  	_ =	shalt  }
0x3e: {  	_ =	shalt  }
0x3f: {  	_ =	shalt  }
0x40: {  	_ =	shalt  }
0x41: {  	_ =	shalt  }
0x42: {  	_ =	shalt  }
0x43: {  	_ =	shalt  }
0x44: {  	_ =	shalt  }
0x45: {  	_ =	shalt  }
0x46: {  	_ =	shalt  }
0x47: {  	_ =	shalt  }
0x48: {  	_ =	shalt  }
0x49: {  	_ =	shalt  }
0x4a: {  	_ =	shalt  }
0x4b: {  	_ =	shalt  }
0x4c: {  	_ =	shalt  }
0x4d: {  	_ =	shalt  }
0x4e: {  	_ =	shalt  }
0x4f: {  	_ =	shalt  }
0x50: {  	_ =	shalt  }
0x51: {  	_ =	shalt  }
0x52: {  	_ =	shalt  }
0x53: {  	_ =	shalt  }
0x54: {  	_ =	shalt  }
0x55: {  	_ =	shalt  }
0x56: {  	_ =	shalt  }
0x57: {  	_ =	shalt  }
0x58: {  	_ =	shalt  }
0x59: {  	_ =	shalt  }
0x5a: {  	_ =	shalt  }
0x5b: {  	_ =	shalt  }
0x5c: {  	_ =	shalt  }
0x5d: {  	_ =	shalt  }
0x5e: {  	_ =	shalt  }
0x5f: {  	_ =	shalt  }
0x60: {  	_ =	shalt  }
0x61: {  	_ =	shalt  }
0x62: {  	_ =	shalt  }
0x63: {  	_ =	shalt  }
0x64: {  	_ =	shalt  }
0x65: {  	_ =	shalt  }
0x66: {  	_ =	shalt  }
0x67: {  	_ =	shalt  }
0x68: {  	_ =	shalt  }
0x69: {  	_ =	shalt  }
0x6a: {  	_ =	shalt  }
0x6b: {  	_ =	shalt  }
0x6c: {  	_ =	shalt  }
0x6d: {  	_ =	shalt  }
0x6e: {  	_ =	shalt  }
0x6f: {  	_ =	shalt  }
0x70: {  	_ =	shalt  }
0x71: {  	_ =	shalt  }
0x72: {  	_ =	shalt  }
0x73: {  	_ =	shalt  }
0x74: {  	_ =	shalt  }
0x75: {  	_ =	shalt  }
0x76: {  	_ =	shalt  }
0x77: {  	_ =	shalt  }
0x78: {  	_ =	shalt  }
0x79: {  	_ =	shalt  }
0x7a: {  	_ =	shalt  }
0x7b: {  	_ =	shalt  }
0x7c: {  	_ =	shalt  }
0x7d: {  	_ =	shalt  }
0x7e: {  	_ =	shalt  }
0x7f: {  	_ =	shalt  }
0x80: {  	_ =	shalt  }
0x81: {  	_ =	shalt  }
0x82: {  	_ =	shalt  }
0x83: {  	_ =	shalt  }
0x84: {  	_ =	shalt  }
0x85: {  	_ =	shalt  }
0x86: {  	_ =	shalt  }
0x87: {  	_ =	shalt  }
.Lfunc_end0:
.L_simem_size_0:
called_computation.1_lowered:
.L_overlay_start_0:
0x88: {  	s2 =	sld [smem:$0x3FD9]  }
0x89: {  	s3 =	sld [smem:$0x3FFE];
	_ =	sdelay $0x1  }
0x8a: {  	s1 =	srdreg.scid  }
0x8b: {  	s0 =	sand.u32 $0x1, s1  }
0x8c: {  	s15 =	sshll.u32 s0, $0xA;
	s2 =	sadd.s32 s3, s2  }
0x8d: {  	s2 =	sadd.s32 s2, s15  }
0x8e: {  	[smem:$0x3FC6] =	sst s2  }
0x8f: {  	_ = 	snop  }
0x90: {  	s2 =	sld [smem:$0x3FD0];
	_ =	sdelay $0x2  }
0x91: {  	s4 =	simm.s32 $0xA;
	s5 =	simm.s32 $0x10;
	s16 =	sld [smem:$0x3FC8]  }
0x92: {  	[smem:s5], [sflag:s4] =	dma.local [hbm:s2], $0x1  }
0x93: {  	_ =	swait.eq [sflag:s4], $0x1  }
0x94: {  	[sflag:s4] =	ssyncset.done $0x0  }
0x95: {  	[sflag:s4] =	ssyncadd.s32 $0xFFFFFFFF  }
0x96: {  	s17 =	sld [smem:$0x11];
	(tm) =	ssettm $0x1  }
0x97: {  	s18 =	sld [smem:$0x3FFB];
	_ =	sdelay $0x3  }
0x98: {  	_ =	strace s18  }
0x99: {  	s4 =	sld [smem:$0x3FFC];
	_ =	sdelay $0x3  }
0x9a: {  	_ =	strace s4  }
0x9b: {  	s4 =	sld [smem:$0x3FFD];
	_ =	sdelay $0x3  }
0x9c: {  	_ =	strace s4  }
0x9d: {  	_ =	strace $0x8FFFFFFF  }
0x9e: {  	s19 =	sld [smem:$0x3FDB];
	_ =	sdelay $0x1  }
0x9f: {  	s20 =	simm.s32 $_scs_section_size  }
0xa0: {  	s6 =	simm.s32 $_size__tile_overlayer_lowered;
	s7 =	simm.s32 $_tile_overlayer_lowered  }
0xa1: {  	s23 =	simm.s32 $0x1BFF;
	s22 =	sshll.u32 s7, $0x1;
	s4 =	sadd.s32 s20, s19  }
0xa2: {  	s8 =	simm.s32 $0x0;
	s21 =	sshll.u32 s6, $0x1;
	s6 =	sadd.s32 s22, s4  }
0xa3: {  	[timem:s8], [sflag:s23] =	dma.local [hbm:s6], s21  }
0xa4: {  	_ =	swait.ge [sflag:s23], s21  }
0xa5: {  	s5 =	ssub.s32 $0x0, s21;
	[sflag:s23] =	ssyncset.done $0x0  }
0xa6: {  	[sflag:s23] =	ssyncadd.s32 s5;
	_ =	sdelay $0x1  }
0xa7: {  	s24 =	simm.s32 $0x1B8B  }
0xa8: {  	_ =	swait.ge [sflag:s24], $0x1  }
0xa9: {  	[sflag:s24] =	ssyncset.done $0x0  }
0xaa: {  	s25 =	simm.s32 $0x1B8E;
	[sflag:s24] =	ssyncadd.s32 $0xFFFFFFFF  }
0xab: {  	s26 =	simm.s32 $execute0_lowered;
	[smem:$0x3FD2] =	sst s25  }
0xac: {  	s5 =	sshll.u32 s26, $0x1;
	_ =	strace $0x80000046;
	[dreg:$0x1] =	wrdreg $0xFFFFFFFF  }
0xad: {  	s28 =	simm.s32 $_size_execute0_lowered;
	s4 =	sadd.s32 s4, s5;
	[dreg:$0x0] =	wrdreg $0x0  }
0xae: {  	s5 =	sshll.u32 s28, $0x1;
	[dreg:$0x2] =	wrdreg s4  }
0xaf: {  	[dreg:$0x3] =	wrdreg s5  }
0xb0: {  	[dreg:$0x4] =	wrdreg $0xC0  }
0xb1: {  	_ =	task [dreg:s8], $0x5FFFF  }
0xb2: {  	[dreg:$0x1] =	wrdreg $0xFFFFFFFF  }
0xb3: {  	[dreg:$0x0] =	wrdreg $0x60  }
0xb4: {  	[dreg:$0x2] =	wrdreg s16  }
0xb5: {  	[dreg:$0x3] =	wrdreg s17  }
0xb6: {  	[dreg:$0x4] =	wrdreg $0x9  }
0xb7: {  	_ =	task.clear_ibuf [dreg:s8], $0x5FFFF;
	_ =	strace $0x90000046  }
0xb8: {  	s29 =	simm.s32 $0x9;
	_ =	strace $0x80000048  }
0xb9: {  	_ =	swait.ge [sflag:s29], $0x1  }
0xba: {  	[sflag:s29] =	ssyncadd.s32 $0xFFFFFFFF  }
0xbb: {  	_ =	strace $0x90000048  }
0xbc: {  	_ =	sfence  }
0xbd: {  	s30 =	sld [smem:$0x0];
	_ =	sdelay $0x2  }
0xbe: {  	s31 =	sshll.u32 s1, $0xD;
	s1 =	sshrl.u32 s1, $0x2  }
0xbf: {  	s3 =	sand.u32 $0x4000, s31;
	s1 =	sadd.s32 s1, s30  }
0xc0: {  	s0 =	sor.u32 s3, s0;
	s1 =	sshll.u32 s1, $0x11  }
0xc1: {  	s0 =	sor.u32 s1, s0  }
0xc2: {  	s0 =	sadd.s32 $0x8F2B, s0  }
0xc3: {  	[sflag:s0] =	ssyncadd.remote.s32 $0x1  }
0xc4: {  	_ =	sfence.sel $0xFFFF  }
0xc5: {  	[dreg:$0x0] =	wrdreg $0xFFFFFFFF;
	(pc) =	sbr.abs _section_cstart, $3  }
0xc6: {  	[dreg:$0x1] =	wrdreg $0xFFFFFFFF  }
0xc7: {  	_ =	task.clear_ibuf [dreg:s8], $0x2FFFF;
	_ =	strace $0x9FFFFFFF  }
0xc8: {  	(tm) =	ssettm $0x7FFFFFFF  }
0xc9: {  	_ =	shalt  }
tec
execute0_lowered:
.L_overlay_start_1:
0x0: {  	(tag) =	ssettag $0x1  }
0x1: {  	s2 =	rddreg [dreg:$0x0]  }
0x2: {  	s3 =	rddreg [dreg:$0x1]  }
0x3: {  	s4 =	srdreg.scid;
	s0 =	stileid.u32  }
0x4: {  	s16 =	simm.s32 $0x7A1400;
	s17 =	simm.s32 $0xE000;
	s18 =	simm.s32 $0x1  }
0x5: {  	s19 =	simm.s32 $0x3;
	s20 =	simm.s32 $0x4;
	s10 =	sand.u32 $0x1, s4  }
0x6: {  	s5 =	sshll.u32 s0, $0x1;
	s4 =	simm.s32 $0x0;
	s14 =	smul.u32 $0x3800, s0  }
0x7: {  	s6 =	ssub.s32 $0x2, s10;
	s7 =	sor.u32 s10, s5;
	s15 =	smul.u32 $0x1C00, s10  }
0x8: {  	[smem:$0x7FF] =	sst s4;
	s30 =	sshrl.u32 s6, $0x1;
	s8 =	smul.u32 $0x380, s7  }
0x9: {  	_ =	strace $0x80000047;
	s11 =	ssub.s32 $0x45B, s7;
	s12 =	smul.u32 $0x1C00, s7  }
0xa: {  	s9 =	ssub.s32 s6, s30;
	s5 =	sshrl.u32 s11, $0x5;
	s21 =	sand.u32 $0x20, s11  }
0xb: {  	s14 =	sadd.s32 s15, s14;
	s15 =	simm.s32 $0x1C00;
	s1 =	sadd.s32 s2, s8  }
0xc: {  	s7 =	smax.u32 s9, $0x1;
	s31 =	sadd.s32 $0x7000, s8;
	s12 =	sshrl.u32 s12, $0x3  }
0xd: {  	s13 =	sadd.s32 $0x2, s5;
	s14 =	sadd.s32 $0xE0000, s14;
	p0 =	seq.s32 s21, $0x0  }
0xe: {  	s21 =	simm.s32 $0x0;
	[dreg:$0x3] =	wrdreg s1;
	s8 =	sadd.s32 s2, s31  }
0xf: {  	s9 =	sadd.s32 s3, s12;
	s12 =	sadd.s32 s2, s12;
	s11 =	sadd.s32 s3, s31  }
0x10: {  	s13 =	sand.u32 $0x26, s13;
	s10 =	sadd.s32 $0xE000, s12;
	s12 =	sadd.s32 $0xFFFFFFFE, s5  }
.LBB2_1:
0x11: {  	s0 =	rddreg [dreg:$0x3]  }
0x12: {  	[tilespmem:s4], [sflag:$0x1] =	stream.strided.gather [hbm4b:s0+s15], $0xE000, s16, s15, $0x38;
	[tilespmem:$0x1C000] =	vst v63  }
0x13: {  	_ = 	snop  }
0x14: {  	[tilespmem:s17], [sflag:$0x2] =	stream.strided.gather [hbm4b:s8+s15], $0xE000, s16, s15, $0x38;
	[tilespmem:$0x1C000] =	vst v63  }
0x15: {  	_ =	swait.ge [sflag:s18], $0xE000  }
0x16: {  	[sflag:s18] =	ssyncset.done $0x0  }
0x17: {  	[sflag:s18] =	ssyncadd.s32 $0xFFFF2000  }
0x18: {  	[hbm4b:s9+s15] =	stream.strided.scatter [tilespmem:s4], [sflag:$0x3], $0xE000, s16, s15, $0x38;
	[tilespmem:$0x1C000] =	vst v63  }
0x19: {  	_ =	swait.ge [sflag:s19], $0xE000  }
0x1a: {  	[sflag:s19] =	ssyncset.done $0x0  }
0x1b: {  	p1 =	sne.s32 s13, $0x4;
	[sflag:s19] =	ssyncadd.s32 $0xFFFF2000  }
0x1c: {  	[tilespmem:s4], [sflag:$0x1] =	stream.strided.gather [hbm4b:s10+s15], $0xE000, s16, s15, $0x38;
	[tilespmem:$0x1C000] =	vst v63  }
.Ltmp0:
0x1d: {  	s28 =	simm.s32 $0x2;
	(pc) =	sbr.rel @!p1 .LBB2_2-.Ltmp0, $4  }
0x1e: {  	_ =	swait.ge [sflag:s28], $0xE000  }
0x1f: {  	p3 =	sle.u32 s5, $0x2;
	s25 =	simm.s32 $0x4;
	[sflag:s28] =	ssyncset.done $0x0  }
0x20: {  	p2 =	por $0x0, $0x0;
	s22 =	simm.s32 @!p3 $0xE000;
	[sflag:s28] =	ssyncadd.s32 $0xFFFF2000  }
0x21: {  	[hbm4b:s11+s15] =	stream.strided.scatter [tilespmem:s17], [sflag:$0x4], $0xE000, s16, s15, $0x38;
	[tilespmem:$0x1C000] =	vst v63  }
0x22: {  	s23 =	sadd.s32 @!p3 $0xFFFC8000, s14;
	p1 =	por p3, p3;
	_ =	swait.ge [sflag:s20], $0xE000  }
0x23: {  	s31 =	sshrl.u32 @!p1 s23, $0x3;
	s24 =	simm.s32 @!p1 $0x7A1400;
	[sflag:s20] =	ssyncset.done $0x0  }
0x24: {  	s26 =	simm.s32 @!p1 $0x1C00;
	s23 =	sadd.s32 @!p1 s2, s31;
	[sflag:s20] =	ssyncadd.s32 $0xFFFF2000  }
0x25: {  	[tilespmem:s22], [sflag:$0x2] =	stream.strided.gather @!p1 [hbm4b:s23+s26], $0xE000, s24, s26, $0x38;
	[tilespmem:$0x1C000] =	vst v63  }
0x26: {  	s6 =	sadd.s32 $0xFFF90000, s14;
	p2 =	slt.u32 s12, $0x2;
	_ =	swait.ge [sflag:s18], $0xE000  }
0x27: {  	p4 =	sne.s32 s13, $0x6;
	s23 =	sshrl.u32 s6, $0x3;
	[sflag:s18] =	ssyncset.done $0x0  }
0x28: {  	s29 =	simm.s32 @!p2 $0x3;
	s23 =	sadd.s32 s3, s23;
	[sflag:s18] =	ssyncadd.s32 $0xFFFF2000  }
0x29: {  	[hbm4b:s23+s15] =	stream.strided.scatter [tilespmem:s4], [sflag:$0x3], $0xE000, s16, s15, $0x38;
	[tilespmem:$0x1C000] =	vst v63  }
0x2a: {  	s30 =	simm.s32 @!p2 $0x1C00;
	s23 =	sshrl.u32 @!p2 s14, $0x3;
	_ =	swait.ge @!p2 [sflag:s29], $0xE000  }
0x2b: {  	s0 =	simm.s32 @!p2 $0x7A1400;
	s23 =	sadd.s32 @!p2 s2, s23;
	[sflag:s29] =	ssyncset.done @!p2 $0x0  }
.Ltmp1:
0x2c: {  	[sflag:s29] =	ssyncadd.s32 @!p2 $0xFFFF2000;
	s29 =	simm.s32 @!p2 $0x0;
	(pc) =	sbr.rel @!p4 .LBB2_4-.Ltmp1, $4  }
0x2d: {  	[tilespmem:s29], [sflag:$0x1] =	stream.strided.gather @!p2 [hbm4b:s23+s30], $0xE000, s0, s30, $0x38;
	[tilespmem:$0x1C000] =	vst v63  }
0x2e: {  	s28 =	simm.s32 $0x6;
	p3 =	sle.u32 s5, $0x4;
	s29 =	simm.s32 @!p1 $0x2  }
0x2f: {  	s31 =	sadd.s32 @!p1 s3, s31;
	s23 =	sadd.s32 $0x70000, s14;
	_ =	swait.ge @!p1 [sflag:s29], $0xE000  }
0x30: {  	s30 =	simm.s32 @!p3 $0xE000;
	p2 =	por $0x1, $0x1;
	[sflag:s29] =	ssyncset.done @!p1 $0x0  }
.LBB2_5:
0x31: {  	s0 =	sadd.s32 @!p3 $0xFFFC8000, s23  }
0x32: {  	[sflag:s29] =	ssyncadd.s32 @!p1 $0xFFFF2000;
	s29 =	smov.u32 s25;
	s25 =	smov.u32 s28  }
0x33: {  	s28 =	sadd.s32 $0x2, s28;
	p4 =	por p1, p1;
	p1 =	por p3, p3  }
0x34: {  	[hbm4b:s31+s26] =	stream.strided.scatter @!p4 [tilespmem:s22], [sflag:$0x4], $0xE000, s24, s26, $0x38;
	[tilespmem:$0x1C000] =	vst v63  }
0x35: {  	s0 =	sshrl.u32 @!p1 s0, $0x3;
	s24 =	simm.s32 @!p1 $0x7A1400;
	_ =	swait.ge [sflag:s20], $0xE000  }
0x36: {  	s26 =	simm.s32 @!p1 $0x1C00;
	s22 =	sadd.s32 @!p1 s2, s0;
	[sflag:s20] =	ssyncset.done $0x0  }
0x37: {  	p4 =	sne.s32 s13, s28;
	s31 =	sadd.s32 $0xFFF90000, s23;
	[sflag:s20] =	ssyncadd.s32 $0xFFFF2000  }
0x38: {  	[tilespmem:s30], [sflag:$0x2] =	stream.strided.gather @!p1 [hbm4b:s22+s26], $0xE000, s24, s26, $0x38;
	[tilespmem:$0x1C000] =	vst v63  }
0x39: {  	s31 =	sshrl.u32 s31, $0x3;
	s22 =	smov.u32 s30;
	_ =	swait.ge [sflag:s18], $0xE000  }
0x3a: {  	p3 =	sgt.u32 s29, s12;
	s30 =	sadd.s32 s3, s31;
	[sflag:s18] =	ssyncset.done $0x0  }
0x3b: {  	s29 =	simm.s32 @!p3 $0x3;
	s31 =	sshrl.u32 @!p3 s23, $0x3;
	[sflag:s18] =	ssyncadd.s32 $0xFFFF2000  }
0x3c: {  	[hbm4b:s30+s15] =	stream.strided.scatter [tilespmem:s4], [sflag:$0x3], $0xE000, s16, s15, $0x38;
	[tilespmem:$0x1C000] =	vst v63  }
0x3d: {  	s1 =	simm.s32 @!p3 $0x7A1400;
	s30 =	simm.s32 @!p3 $0x1C00;
	_ =	swait.ge @!p3 [sflag:s29], $0xE000  }
.Ltmp2:
0x3e: {  	s31 =	sadd.s32 @!p3 s2, s31;
	[sflag:s29] =	ssyncset.done @!p3 $0x0;
	(pc) =	sbr.rel @p4 .LBB2_5-.Ltmp2, $4  }
0x3f: {  	s6 =	simm.s32 @!p3 $0x0;
	[sflag:s29] =	ssyncadd.s32 @!p3 $0xFFFF2000;
	s29 =	simm.s32 @!p1 $0x2  }
0x40: {  	[tilespmem:s6], [sflag:$0x1] =	stream.strided.gather @!p3 [hbm4b:s31+s30], $0xE000, s1, s30, $0x38;
	[tilespmem:$0x1C000] =	vst v63  }
0x41: {  	s23 =	sadd.s32 $0x70000, s23;
	p3 =	sge.u32 s25, s5;
	_ =	swait.ge @!p1 [sflag:s29], $0xE000  }
0x42: {  	s31 =	sadd.s32 @!p1 s3, s0;
	s30 =	simm.s32 @!p3 $0xE000;
	[sflag:s29] =	ssyncset.done @!p1 $0x0  }
0x43: {  	s30 =	smov.u32 s22;
	s28 =	smov.u32 s25;
	s22 =	simm.s32 @!p3 $0xE000  }
.LBB2_7:
0x44: {  	p4 =	por p1, !p2;
	p1 =	por @p2 p1, p1  }
0x45: {  	[sflag:s29] =	ssyncadd.s32 @!p4 $0xFFFF2000;
	p1 =	por p1, !p2  }
0x46: {  	[hbm4b:s31+s26] =	stream.strided.scatter @!p1 [tilespmem:s30], [sflag:$0x4], $0xE000, s24, s26, $0x38;
	[tilespmem:$0x1C000] =	vst v63  }
0x47: {  	s0 =	sadd.s32 @!p3 $0xFFFC8000, s23;
	p1 =	por p3, p3;
	_ =	swait.ge [sflag:s20], $0xE000  }
0x48: {  	s0 =	sshrl.u32 @!p1 s0, $0x3;
	s1 =	simm.s32 @!p1 $0x7A1400;
	[sflag:s20] =	ssyncset.done $0x0  }
0x49: {  	s24 =	simm.s32 @!p1 $0x1C00;
	s6 =	sadd.s32 @!p1 s2, s0;
	[sflag:s20] =	ssyncadd.s32 $0xFFFF2000  }
0x4a: {  	[tilespmem:s22], [sflag:$0x2] =	stream.strided.gather @!p1 [hbm4b:s6+s24], $0xE000, s1, s24, $0x38;
	[tilespmem:$0x1C000] =	vst v63  }
0x4b: {  	s31 =	sadd.s32 $0xFFF90000, s23;
	_ =	swait.ge [sflag:s18], $0xE000  }
0x4c: {  	p2 =	sgt.u32 s28, s12;
	s6 =	sshrl.u32 s31, $0x3;
	[sflag:s18] =	ssyncset.done $0x0  }
0x4d: {  	s25 =	simm.s32 @!p2 $0x3;
	s6 =	sadd.s32 s3, s6;
	[sflag:s18] =	ssyncadd.s32 $0xFFFF2000  }
0x4e: {  	[hbm4b:s6+s15] =	stream.strided.scatter [tilespmem:s4], [sflag:$0x3], $0xE000, s16, s15, $0x38;
	[tilespmem:$0x1C000] =	vst v63  }
0x4f: {  	s26 =	simm.s32 @!p2 $0x7A1400;
	s28 =	simm.s32 @!p1 $0x2;
	_ =	swait.ge @!p2 [sflag:s25], $0xE000  }
0x50: {  	s6 =	sshrl.u32 @!p2 s23, $0x3;
	s23 =	simm.s32 @!p2 $0x1C00;
	[sflag:s25] =	ssyncset.done @!p2 $0x0  }
0x51: {  	s6 =	sadd.s32 @!p2 s2, s6;
	[sflag:s25] =	ssyncadd.s32 @!p2 $0xFFFF2000;
	s25 =	simm.s32 @!p2 $0x0  }
0x52: {  	[tilespmem:s25], [sflag:$0x1] =	stream.strided.gather @!p2 [hbm4b:s6+s23], $0xE000, s26, s23, $0x38;
	[tilespmem:$0x1C000] =	vst v63  }
0x53: {  	_ =	swait.ge @!p1 [sflag:s28], $0xE000  }
0x54: {  	s21 =	sadd.s32 $0x1, s21;
	[sflag:s28] =	ssyncset.done @!p1 $0x0  }
0x55: {  	s0 =	sadd.s32 @!p1 s3, s0;
	[sflag:s28] =	ssyncadd.s32 @!p1 $0xFFFF2000;
	p1 =	por p1, p1  }
0x56: {  	[hbm4b:s0+s24] =	stream.strided.scatter @!p1 [tilespmem:s22], [sflag:$0x4], $0xE000, s1, s24, $0x38;
	[tilespmem:$0x1C000] =	vst v63  }
0x57: {  	p1 =	sne.s32 s21, s7;
	_ =	swait.ge [sflag:s19], $0xE000  }
.Ltmp3:
0x58: {  	[sflag:s19] =	ssyncset.done $0x0;
	(pc) =	sbr.rel @p1 .LBB2_1-.Ltmp3, $4  }
.Ltmp4:
0x59: {  	s0 =	simm.s32 @!p0 $0x4;
	[sflag:s19] =	ssyncadd.s32 $0xFFFF2000;
	(pc) =	sbr.rel @!p1 .LBB2_8-.Ltmp4, $4  }
0x5a: {  	_ =	swait.ge @!p0 [sflag:s0], $0xE000  }
0x5b: {  	[sflag:s0] =	ssyncset.done @!p0 $0x0  }
0x5c: {  	[sflag:s0] =	ssyncadd.s32 @!p0 $0xFFFF2000  }
0x5d: {  	_ = 	snop  }
.LBB2_2:
.Ltmp5:
0x5e: {  	(pc) =	sbr.rel .LBB2_7-.Ltmp5, $2  }
0x5f: {  	_ =	sdelay $0x2  }
0x60: {  	s23 =	smov.u32 s14  }
.LBB2_4:
.Ltmp6:
0x61: {  	(pc) =	sbr.rel .LBB2_7-.Ltmp6, $2  }
0x62: {  	_ =	sdelay $0x2  }
0x63: {  	s30 =	smov.u32 s22;
	s28 =	simm.s32 $0x4;
	s22 =	simm.s32 @!p3 $0xE000  }
.LBB2_8:
0x64: {  	_ =	sfence.sel $0x180000  }
0x65: {  	[bflag:$0x0] =	sbarrier.arrive $0xFFFF  }
0x66: {  	_ =	strace $0x90000047  }
0x67: {  	s0 =	stileid.u32;
	[bflag:$0x2] =	sbarrier.arrive $0xFFFF  }
0x68: {  	p0 =	sne.s32 s0, $0x0;
	s0 =	rddreg [dreg:$0x2]  }
0x69: {  	s0 =	sadd.s32 @!p0 $0x100000, s0  }
0x6a: {  	[sflag:s0] =	ssyncadd.tile.s32 @!p0 $0x1;
	_ =	shalt  }
.Lfunc_end2:
_tile_overlayer_lowered:
.L_overlay_start_2:
0x6b: {  	(tag) =	ssettag $0x2  }
0x6c: {  	s0 =	rddreg [dreg:$0x0];
	s2 =	stileid.u32  }
0x6d: {  	s1 =	rddreg [dreg:$0x1];
	p0 =	sne.s32 s2, $0x0  }
0x6e: {  	s3 =	rddreg [dreg:$0x2];
	[bflag:$0x3] =	sbarrier.arrive $0xFFFF;
	s2 =	simm.s32 @!p0 $0x1C05  }
0x6f: {  	[timem:s3], [sflag:s2] =	dma.local @!p0 [hbm:s0], s1  }
0x70: {  	s0 =	simm.s32 @!p0 $0x5  }
0x71: {  	_ =	swait.ge @!p0 [sflag:s0], s1  }
0x72: {  	s1 =	ssub.s32 @!p0 $0x0, s1;
	[sflag:s0] =	ssyncset.done @!p0 $0x0  }
0x73: {  	[sflag:s0] =	ssyncadd.s32 @!p0 s1  }
0x74: {  	[bflag:$0x3] =	sbarrier.arrive $0xFFFF  }
0x75: {  	_ =	shalt  }

// kernel: kernel.7.cloned.1.call-start
scs
__scs_entry_jumppad:
0x0: {  	(pc) =	sbr.rel $0x88, $3  }
0x1: {  	(tag) =	ssettag $0x0;
	lr =	simm.s32 $0x1  }
0x2: {  	[smem:$0x3F9F] =	sst lr;
	_ =	strace $0xD0000000  }
0x3: {  	_ = 	snop  }
0x4: {  	_ = 	snop  }
0x5: {  	_ = 	snop  }
0x6: {  	_ = 	snop  }
0x7: {  	_ = 	snop  }
__scs_overlays_trampoline_lowered:
0x8: {  	[smem:$0x3FAE] =	sst s0  }
0x9: {  	[smem:$0x3FAF] =	sst s1  }
0xa: {  	[smem:$0x3FB0] =	sst s2  }
0xb: {  	[smem:$0x3FB1] =	sst s3  }
0xc: {  	[smem:$0x3FB2] =	sst s4  }
0xd: {  	[smem:$0x3FB3] =	sst s5  }
0xe: {  	[smem:$0x3FB4] =	sst s6  }
0xf: {  	[smem:$0x3FB5] =	sst s7  }
0x10: {  	[smem:$0x3FB6] =	sst s8  }
0x11: {  	[smem:$0x3FB7] =	sst s9;
	s0 =	simm.s32 @!p0 $0x0  }
0x12: {  	s1 =	sld [smem:$0x3F9D];
	s0 =	simm.s32 @p0 $0x1  }
0x13: {  	[smem:$0x3FB8] =	sst s0;
	s0 =	simm.s32 @!p1 $0x0  }
0x14: {  	s2 =	sld [smem:$0x3F9C];
	s0 =	simm.s32 @p1 $0x1  }
0x15: {  	[smem:$0x3FB9] =	sst s0;
	s0 =	simm.s32 @!p2 $0x0  }
0x16: {  	s3 =	sld [smem:$0x3FDB];
	s0 =	simm.s32 @p2 $0x1  }
0x17: {  	s4 =	simm.s32 $0x1BF5;
	[smem:$0x3FBB] =	sst s0  }
0x18: {  	s0 =	sld [smem:$0x3F9E];
	_ =	swait.ge [sflag:s4], $0x0  }
0x19: {  	s7 =	sld [smem:$0x3F9F]  }
0x1a: {  	s8 =	sadd.s32 $0xFFFFE003, lr  }
0x1b: {  	s9 =	sadd.s32 $0xFFFFFEF7, lr;
	s5 =	simm.s32 $0xFFFFFFFF;
	p2 =	slt.u32 s8, $0xFFFFF086  }
0x1c: {  	p1 =	slt.u32 s9, $0xF7A;
	s5 =	simm.s32 @!p2 $0x0  }
0x1d: {  	s5 =	simm.s32 @p1 $0x1;
	p0 =	seq.s32 s7, s2  }
0x1e: {  	s7 =	smul.u32 @!p0 $0xF7A, s2;
	p2 =	seq.s32 @!p0 s5, $0x0  }
0x1f: {  	s9 =	smul.u32 $0xF7A, s1;
	s8 =	simm.s32 @!p0 $0x1BF5;
	p2 =	por !p2, p0  }
0x20: {  	[sflag:s8] =	ssyncset.s32 @!p0 $0xFFFFF086;
	s6 =	sadd.s32 @!p0 s3, s7;
	s7 =	simm.s32 @!p0 $0x108  }
0x21: {  	s3 =	sadd.s32 s3, s9;
	s6 =	sadd.s32 @!p0 $0x88, s6;
	s7 =	simm.s32 @p2 $0x1082  }
0x22: {  	[simem:s7], [sflag:s8] =	dma.local @!p0 [hbm:s6], $0xF7A  }
0x23: {  	s9 =	sor.u32 $0xD0000000, s2;
	s6 =	simm.s32 $0x108;
	_ =	swait.ge @!p0 [sflag:s8], $0x0  }
0x24: {  	s3 =	sadd.s32 $0x88, s3;
	s6 =	simm.s32 @!p1 $0x1082;
	[sflag:s4] =	ssyncset.s32 $0xFFFFF086  }
0x25: {  	[simem:s6], [sflag:s4] =	dma.local [hbm:s3], $0xF7A  }
0x26: {  	[smem:$0x3F9F] =	sst s1;
	(tag) =	ssettag s2;
	_ =	strace s9  }
0x27: {  	s1 =	sld [smem:$0x3FAF]  }
0x28: {  	s2 =	sld [smem:$0x3FB0]  }
0x29: {  	s4 =	sld [smem:$0x3FB2]  }
0x2a: {  	p0 =	seq.s32 s5, $0x0;
	s5 =	sld [smem:$0x3FB3]  }
0x2b: {  	s6 =	sld [smem:$0x3FB4]  }
0x2c: {  	s7 =	sld [smem:$0x3FB5]  }
0x2d: {  	s3 =	simm.s32 $0x108;
	s8 =	sld [smem:$0x3FB6]  }
0x2e: {  	s3 =	simm.s32 @!p0 $0x1082;
	s9 =	sld [smem:$0x3FB7]  }
0x2f: {  	lr =	sadd.s32 s0, s3;
	s0 =	sld [smem:$0x3FAE]  }
0x30: {  	s3 =	sld [smem:$0x3FB1]  }
0x31: {  	[smem:$0x3FBA] =	sst s10  }
0x32: {  	s10 =	sld [smem:$0x3FB8];
	_ =	sdelay $0x3  }
0x33: {  	p0 =	seq.s32 s10, $0x1;
	s10 =	sld [smem:$0x3FBA];
	_ =	sdelay $0x3  }
0x34: {  	[smem:$0x3FBA] =	sst s10  }
0x35: {  	s10 =	sld [smem:$0x3FB9];
	_ =	sdelay $0x3  }
0x36: {  	p1 =	seq.s32 s10, $0x1;
	s10 =	sld [smem:$0x3FBA];
	_ =	sdelay $0x3  }
0x37: {  	[smem:$0x3FBA] =	sst s10  }
0x38: {  	s10 =	sld [smem:$0x3FBB]  }
0x39: {  	_ = 	snop;
	(pc) =	sbr.ind lr, $3  }
0x3a: {  	_ = 	snop  }
0x3b: {  	_ = 	snop  }
0x3c: {  	p2 =	seq.s32 s10, $0x1;
	s10 =	sld [smem:$0x3FBA]  }
0x3d: {  	_ =	shalt  }
0x3e: {  	_ =	shalt  }
0x3f: {  	_ =	shalt  }
0x40: {  	_ =	shalt  }
0x41: {  	_ =	shalt  }
0x42: {  	_ =	shalt  }
0x43: {  	_ =	shalt  }
0x44: {  	_ =	shalt  }
0x45: {  	_ =	shalt  }
0x46: {  	_ =	shalt  }
0x47: {  	_ =	shalt  }
0x48: {  	_ =	shalt  }
0x49: {  	_ =	shalt  }
0x4a: {  	_ =	shalt  }
0x4b: {  	_ =	shalt  }
0x4c: {  	_ =	shalt  }
0x4d: {  	_ =	shalt  }
0x4e: {  	_ =	shalt  }
0x4f: {  	_ =	shalt  }
0x50: {  	_ =	shalt  }
0x51: {  	_ =	shalt  }
0x52: {  	_ =	shalt  }
0x53: {  	_ =	shalt  }
0x54: {  	_ =	shalt  }
0x55: {  	_ =	shalt  }
0x56: {  	_ =	shalt  }
0x57: {  	_ =	shalt  }
0x58: {  	_ =	shalt  }
0x59: {  	_ =	shalt  }
0x5a: {  	_ =	shalt  }
0x5b: {  	_ =	shalt  }
0x5c: {  	_ =	shalt  }
0x5d: {  	_ =	shalt  }
0x5e: {  	_ =	shalt  }
0x5f: {  	_ =	shalt  }
0x60: {  	_ =	shalt  }
0x61: {  	_ =	shalt  }
0x62: {  	_ =	shalt  }
0x63: {  	_ =	shalt  }
0x64: {  	_ =	shalt  }
0x65: {  	_ =	shalt  }
0x66: {  	_ =	shalt  }
0x67: {  	_ =	shalt  }
0x68: {  	_ =	shalt  }
0x69: {  	_ =	shalt  }
0x6a: {  	_ =	shalt  }
0x6b: {  	_ =	shalt  }
0x6c: {  	_ =	shalt  }
0x6d: {  	_ =	shalt  }
0x6e: {  	_ =	shalt  }
0x6f: {  	_ =	shalt  }
0x70: {  	_ =	shalt  }
0x71: {  	_ =	shalt  }
0x72: {  	_ =	shalt  }
0x73: {  	_ =	shalt  }
0x74: {  	_ =	shalt  }
0x75: {  	_ =	shalt  }
0x76: {  	_ =	shalt  }
0x77: {  	_ =	shalt  }
0x78: {  	_ =	shalt  }
0x79: {  	_ =	shalt  }
0x7a: {  	_ =	shalt  }
0x7b: {  	_ =	shalt  }
0x7c: {  	_ =	shalt  }
0x7d: {  	_ =	shalt  }
0x7e: {  	_ =	shalt  }
0x7f: {  	_ =	shalt  }
0x80: {  	_ =	shalt  }
0x81: {  	_ =	shalt  }
0x82: {  	_ =	shalt  }
0x83: {  	_ =	shalt  }
0x84: {  	_ =	shalt  }
0x85: {  	_ =	shalt  }
0x86: {  	_ =	shalt  }
0x87: {  	_ =	shalt  }
.Lfunc_end0:
.L_simem_size_0:
called_computation.2_lowered:
.L_overlay_start_0:
0x88: {  	s2 =	sld [smem:$0x3FD9]  }
0x89: {  	s3 =	sld [smem:$0x3FFE];
	_ =	sdelay $0x1  }
0x8a: {  	s1 =	srdreg.scid  }
0x8b: {  	s0 =	sand.u32 $0x1, s1  }
0x8c: {  	s14 =	sshll.u32 s0, $0xA;
	s2 =	sadd.s32 s3, s2  }
0x8d: {  	s2 =	sadd.s32 s2, s14  }
0x8e: {  	[smem:$0x3FC6] =	sst s2  }
0x8f: {  	_ = 	snop  }
0x90: {  	s2 =	sld [smem:$0x3FD0];
	_ =	sdelay $0x2  }
0x91: {  	s15 =	simm.s32 $0xA;
	s4 =	simm.s32 $0x10  }
0x92: {  	[smem:s4], [sflag:s15] =	dma.local [hbm:s2], $0x1  }
0x93: {  	_ =	swait.eq [sflag:s15], $0x1  }
0x94: {  	[sflag:s15] =	ssyncset.done $0x0  }
0x95: {  	[sflag:s15] =	ssyncadd.s32 $0xFFFFFFFF  }
0x96: {  	s16 =	sld [smem:$0x10];
	(tm) =	ssettm $0x1  }
0x97: {  	s17 =	sld [smem:$0x3FFB];
	_ =	sdelay $0x3  }
0x98: {  	_ =	strace s17  }
0x99: {  	s3 =	sld [smem:$0x3FFC];
	_ =	sdelay $0x3  }
0x9a: {  	_ =	strace s3  }
0x9b: {  	s3 =	sld [smem:$0x3FFD];
	_ =	sdelay $0x3  }
0x9c: {  	_ =	strace s3  }
0x9d: {  	_ =	strace $0x8FFFFFFF  }
0x9e: {  	s18 =	sld [smem:$0x3FDB];
	_ =	sdelay $0x1  }
0x9f: {  	s19 =	simm.s32 $_scs_section_size  }
0xa0: {  	s5 =	simm.s32 $_size__tile_overlayer_lowered;
	s6 =	simm.s32 $_tile_overlayer_lowered  }
0xa1: {  	s22 =	simm.s32 $0x1BFF;
	s21 =	sshll.u32 s6, $0x1;
	s3 =	sadd.s32 s19, s18  }
0xa2: {  	s7 =	simm.s32 $0x0;
	s20 =	sshll.u32 s5, $0x1;
	s5 =	sadd.s32 s21, s3  }
0xa3: {  	[timem:s7], [sflag:s22] =	dma.local [hbm:s5], s20  }
0xa4: {  	_ =	swait.ge [sflag:s22], s20  }
0xa5: {  	s4 =	ssub.s32 $0x0, s20;
	[sflag:s22] =	ssyncset.done $0x0  }
0xa6: {  	[sflag:s22] =	ssyncadd.s32 s4;
	_ =	sdelay $0x1  }
0xa7: {  	s23 =	simm.s32 $0x1B8B  }
0xa8: {  	_ =	swait.ge [sflag:s23], $0x1  }
0xa9: {  	[sflag:s23] =	ssyncset.done $0x0  }
0xaa: {  	s25 =	simm.s32 $0x1B8E;
	s24 =	sld [smem:$0x3FFE];
	[sflag:s23] =	ssyncadd.s32 $0xFFFFFFFF  }
0xab: {  	s26 =	simm.s32 $execute0_lowered;
	[smem:$0x3FD2] =	sst s25  }
0xac: {  	s5 =	sshll.u32 s26, $0x1;
	_ =	strace $0x80000049;
	[dreg:$0x1] =	wrdreg $0xFFFFFFFF  }
0xad: {  	s28 =	simm.s32 $_size_execute0_lowered;
	s3 =	sadd.s32 s3, s5;
	[dreg:$0x0] =	wrdreg $0x0  }
0xae: {  	s5 =	sshll.u32 s28, $0x1;
	[dreg:$0x2] =	wrdreg s3  }
0xaf: {  	[dreg:$0x3] =	wrdreg s5  }
0xb0: {  	[dreg:$0x4] =	wrdreg $0xC0  }
0xb1: {  	_ =	task [dreg:s7], $0x5FFFF  }
0xb2: {  	[dreg:$0x1] =	wrdreg $0xFFFFFFFF  }
0xb3: {  	[dreg:$0x0] =	wrdreg $0x60  }
0xb4: {  	[dreg:$0x2] =	wrdreg s24  }
0xb5: {  	[dreg:$0x3] =	wrdreg s16  }
0xb6: {  	[dreg:$0x4] =	wrdreg $0x9  }
0xb7: {  	_ =	task.clear_ibuf [dreg:s7], $0x5FFFF;
	_ =	strace $0x90000049  }
0xb8: {  	s29 =	simm.s32 $0x9;
	_ =	strace $0x8000004B  }
0xb9: {  	_ =	swait.ge [sflag:s29], $0x1  }
0xba: {  	[sflag:s29] =	ssyncadd.s32 $0xFFFFFFFF  }
0xbb: {  	_ =	strace $0x9000004B  }
0xbc: {  	_ =	sfence  }
0xbd: {  	s30 =	sld [smem:$0x0];
	_ =	sdelay $0x2  }
0xbe: {  	s31 =	sshll.u32 s1, $0xD;
	s1 =	sshrl.u32 s1, $0x2  }
0xbf: {  	s3 =	sand.u32 $0x4000, s31;
	s1 =	sadd.s32 s1, s30  }
0xc0: {  	s0 =	sor.u32 s3, s0;
	s1 =	sshll.u32 s1, $0x11  }
0xc1: {  	s0 =	sor.u32 s1, s0  }
0xc2: {  	s0 =	sadd.s32 $0x8F2B, s0  }
0xc3: {  	[sflag:s0] =	ssyncadd.remote.s32 $0x1  }
0xc4: {  	_ =	sfence.sel $0xFFFF  }
0xc5: {  	[dreg:$0x0] =	wrdreg $0xFFFFFFFF;
	(pc) =	sbr.abs _section_cstart, $3  }
0xc6: {  	[dreg:$0x1] =	wrdreg $0xFFFFFFFF  }
0xc7: {  	_ =	task.clear_ibuf [dreg:s7], $0x2FFFF;
	_ =	strace $0x9FFFFFFF  }
0xc8: {  	(tm) =	ssettm $0x7FFFFFFF  }
0xc9: {  	_ =	shalt  }
tec
execute0_lowered:
.L_overlay_start_1:
0x0: {  	(tag) =	ssettag $0x1  }
0x1: {  	s1 =	rddreg [dreg:$0x0]  }
0x2: {  	s2 =	srdreg.scid;
	s0 =	stileid.u32  }
0x3: {  	s6 =	rddreg [dreg:$0x1];
	s10 =	simm.s32 $0x1900;
	s30 =	simm.s32 $0xD900  }
0x4: {  	s17 =	simm.s32 $0x9900;
	s31 =	simm.s32 $0xF900;
	s18 =	simm.s32 $0xB900  }
0x5: {  	s19 =	simm.s32 $0x11900;
	s20 =	simm.s32 $0x13900;
	s21 =	simm.s32 $0x1  }
0x6: {  	s22 =	simm.s32 $0x2;
	s23 =	simm.s32 $0x3;
	s4 =	smul.u32 $0x3200, s0  }
0x7: {  	s5 =	sand.u32 $0x1, s2;
	s3 =	sshll.u32 s0, $0x1;
	s25 =	smul.u32 $0x19000, s0  }
0x8: {  	s2 =	simm.s32 $0x0;
	s3 =	sor.u32 s5, s3;
	s9 =	smul.u32 $0x1900, s5  }
0x9: {  	[smem:$0x7FF] =	sst s2;
	s8 =	ssub.s32 $0x2, s5;
	s26 =	smul.u32 $0xC800, s5  }
0xa: {  	s3 =	smul.u32 $0x1900, s3;
	_ =	strace $0x8000004A;
	[dreg:$0x3] =	wrdreg s30  }
0xb: {  	s24 =	sshrl.u32 s8, $0x1;
	s28 =	sadd.s32 s25, s6;
	[dreg:$0x4] =	wrdreg s31  }
0xc: {  	s25 =	simm.s32 $0x0;
	s9 =	sadd.s32 s9, s4;
	s7 =	sshrl.u32 s3, $0x3  }
0xd: {  	s3 =	sadd.s32 $0xF43200, s1;
	s9 =	sshll.u32 s9, $0x3;
	s1 =	sadd.s32 s7, s1  }
0xe: {  	s7 =	ssub.s32 s8, s24;
	s29 =	sadd.s32 s6, s9;
	s6 =	sadd.s32 s26, s28  }
0xf: {  	s8 =	simm.s32 $0x5;
	s9 =	simm.s32 $0x80;
	s24 =	simm.s32 $0x4  }
0x10: {  	s4 =	sadd.s32 $0xE00, s1;
	s5 =	smax.u32 s7, $0x1;
	s7 =	sadd.s32 $0x1400, s29  }
.LBB2_1:
0x11: {  	[tilespmem:s2], [sflag:$0x5] =	stream.linear.gather [hbm4b:s4+s2], $0x1900, $0x38;
	[tilespmem:$0x15900] =	vst v63  }
0x12: {  	_ =	swait.ge [sflag:s8], $0x1900  }
0x13: {  	[sflag:s8] =	ssyncset.done $0x0  }
0x14: {  	[sflag:s8] =	ssyncadd.s32 $0xFFFFE700  }
0x15: {  	[tilespmem:s10], [sflag:$0x1] =	stream.indirect.gather [hbm4b:s3+s9], $0x40, s2, s9, $0xb8;
	[tilespmem:$0x15900] =	vst v63  }
0x16: {  	s0 =	simm.s32 $0x3900  }
0x17: {  	[tilespmem:s0], [sflag:$0x1] =	stream.indirect.gather [hbm4b:s3+s9], $0x40, s9, s9, $0xb8;
	[tilespmem:$0x15900] =	vst v63  }
0x18: {  	s26 =	simm.s32 $0x100;
	s1 =	simm.s32 $0x5900  }
0x19: {  	[tilespmem:s1], [sflag:$0x1] =	stream.indirect.gather [hbm4b:s3+s9], $0x40, s26, s9, $0xb8;
	[tilespmem:$0x15900] =	vst v63  }
0x1a: {  	s11 =	simm.s32 $0x7900;
	p0 =	por $0x1, $0x1;
	s1 =	simm.s32 $0x180  }
0x1b: {  	[tilespmem:s11], [sflag:$0x1] =	stream.indirect.gather [hbm4b:s3+s9], $0x40, s1, s9, $0xb8;
	[tilespmem:$0x15900] =	vst v63  }
0x1c: {  	s12 =	simm.s32 $0x200;
	s1 =	simm.s32 @!p0 $0x4  }
0x1d: {  	[tilespmem:s17], [sflag:$0x1] =	stream.indirect.gather [hbm4b:s3+s9], $0x40, s12, s9, $0xb8;
	[tilespmem:$0x15900] =	vst v63  }
0x1e: {  	_ =	swait.ge @!p0 [sflag:s1], $0xA000  }
0x1f: {  	[sflag:s1] =	ssyncset.done @!p0 $0x0  }
0x20: {  	s26 =	simm.s32 $0x280;
	[sflag:s1] =	ssyncadd.s32 @!p0 $0xFFFF6000  }
0x21: {  	[tilespmem:s18], [sflag:$0x2] =	stream.indirect.gather [hbm4b:s3+s9], $0x40, s26, s9, $0xb8;
	[tilespmem:$0x15900] =	vst v63  }
0x22: {  	s13 =	simm.s32 $0x300;
	s28 =	rddreg [dreg:$0x3]  }
0x23: {  	[tilespmem:s28], [sflag:$0x2] =	stream.indirect.gather [hbm4b:s3+s9], $0x40, s13, s9, $0xb8;
	[tilespmem:$0x15900] =	vst v63  }
0x24: {  	s15 =	simm.s32 $0x380;
	s14 =	rddreg [dreg:$0x4]  }
0x25: {  	[tilespmem:s14], [sflag:$0x2] =	stream.indirect.gather [hbm4b:s3+s9], $0x40, s15, s9, $0xb8;
	[tilespmem:$0x15900] =	vst v63  }
0x26: {  	s16 =	simm.s32 $0x400  }
0x27: {  	[tilespmem:s19], [sflag:$0x2] =	stream.indirect.gather [hbm4b:s3+s9], $0x40, s16, s9, $0xb8;
	[tilespmem:$0x15900] =	vst v63  }
0x28: {  	s26 =	simm.s32 $0x480  }
0x29: {  	[tilespmem:s20], [sflag:$0x2] =	stream.indirect.gather [hbm4b:s3+s9], $0x40, s26, s9, $0xb8;
	[tilespmem:$0x15900] =	vst v63  }
0x2a: {  	_ =	swait.ge [sflag:s21], $0x2000  }
0x2b: {  	[sflag:s21] =	ssyncset.done $0x0  }
0x2c: {  	[sflag:s21] =	ssyncadd.s32 $0xFFFFE000  }
0x2d: {  	_ =	swait.ge [sflag:s21], $0x2000  }
0x2e: {  	[sflag:s21] =	ssyncset.done $0x0  }
0x2f: {  	[sflag:s21] =	ssyncadd.s32 $0xFFFFE000  }
0x30: {  	_ =	swait.ge [sflag:s21], $0x2000  }
0x31: {  	[sflag:s21] =	ssyncset.done $0x0  }
0x32: {  	[sflag:s21] =	ssyncadd.s32 $0xFFFFE000  }
0x33: {  	_ =	swait.ge [sflag:s21], $0x2000  }
0x34: {  	[sflag:s21] =	ssyncset.done $0x0  }
0x35: {  	[sflag:s21] =	ssyncadd.s32 $0xFFFFE000  }
0x36: {  	_ =	swait.ge [sflag:s21], $0x2000  }
0x37: {  	p0 =	por $0x0, $0x0;
	[sflag:s21] =	ssyncset.done $0x0  }
0x38: {  	s1 =	simm.s32 @!p0 $0x3;
	[sflag:s21] =	ssyncadd.s32 $0xFFFFE000  }
0x39: {  	[hbm4b:s6+s2] =	stream.linear.scatter [tilespmem:s10], [sflag:$0x3], $0xA000, $0x38;
	[tilespmem:$0x15900] =	vst v63  }
0x3a: {  	_ =	swait.ge @!p0 [sflag:s1], $0xA000  }
0x3b: {  	s29 =	simm.s32 @!p0 $0x1900;
	[sflag:s1] =	ssyncset.done @!p0 $0x0  }
0x3c: {  	s28 =	simm.s32 @!p0 $0x80;
	s26 =	simm.s32 @!p0 $0x500;
	[sflag:s1] =	ssyncadd.s32 @!p0 $0xFFFF6000  }
0x3d: {  	[tilespmem:s29], [sflag:$0x1] =	stream.indirect.gather @!p0 [hbm4b:s3+s28], $0x40, s26, s28, $0xb8;
	[tilespmem:$0x15900] =	vst v63  }
0x3e: {  	s1 =	simm.s32 @!p0 $0x580;
	s26 =	simm.s32 @!p0 $0x3900  }
0x3f: {  	[tilespmem:s26], [sflag:$0x1] =	stream.indirect.gather @!p0 [hbm4b:s3+s28], $0x40, s1, s28, $0xb8;
	[tilespmem:$0x15900] =	vst v63  }
0x40: {  	s1 =	simm.s32 @!p0 $0x600;
	s26 =	simm.s32 @!p0 $0x5900  }
0x41: {  	[tilespmem:s26], [sflag:$0x1] =	stream.indirect.gather @!p0 [hbm4b:s3+s28], $0x40, s1, s28, $0xb8;
	[tilespmem:$0x15900] =	vst v63  }
0x42: {  	s1 =	simm.s32 @!p0 $0x680;
	s26 =	simm.s32 @!p0 $0x7900  }
0x43: {  	[tilespmem:s26], [sflag:$0x1] =	stream.indirect.gather @!p0 [hbm4b:s3+s28], $0x40, s1, s28, $0xb8;
	[tilespmem:$0x15900] =	vst v63  }
0x44: {  	s1 =	simm.s32 @!p0 $0x700;
	s26 =	simm.s32 @!p0 $0x9900  }
0x45: {  	[tilespmem:s26], [sflag:$0x1] =	stream.indirect.gather @!p0 [hbm4b:s3+s28], $0x40, s1, s28, $0xb8;
	[tilespmem:$0x15900] =	vst v63  }
0x46: {  	_ =	swait.ge [sflag:s22], $0x2000  }
0x47: {  	[sflag:s22] =	ssyncset.done $0x0  }
0x48: {  	[sflag:s22] =	ssyncadd.s32 $0xFFFFE000  }
0x49: {  	_ =	swait.ge [sflag:s22], $0x2000  }
0x4a: {  	[sflag:s22] =	ssyncset.done $0x0  }
0x4b: {  	[sflag:s22] =	ssyncadd.s32 $0xFFFFE000  }
0x4c: {  	_ =	swait.ge [sflag:s22], $0x2000  }
0x4d: {  	[sflag:s22] =	ssyncset.done $0x0  }
0x4e: {  	[sflag:s22] =	ssyncadd.s32 $0xFFFFE000  }
0x4f: {  	_ =	swait.ge [sflag:s22], $0x2000  }
0x50: {  	s30 =	simm.s32 $0x2800;
	p1 =	por $0x0, $0x0;
	[sflag:s22] =	ssyncset.done $0x0  }
0x51: {  	s31 =	smov.u32 s7;
	s29 =	simm.s32 $0x1400;
	[sflag:s22] =	ssyncadd.s32 $0xFFFFE000  }
0x52: {  	s26 =	sadd.s32 $0x2800, s7;
	s28 =	sadd.s32 $0x2800, s6;
	_ =	swait.ge [sflag:s22], $0x2000  }
.LBB2_2:
0x53: {  	[sflag:s22] =	ssyncset.done $0x0  }
0x54: {  	s0 =	simm.s32 @!p1 $0x4;
	[sflag:s22] =	ssyncadd.s32 $0xFFFFE000  }
0x55: {  	[hbm4b:s31+s2] =	stream.linear.scatter [tilespmem:s18], [sflag:$0x4], $0xA000, $0x38;
	[tilespmem:$0x15900] =	vst v63  }
0x56: {  	_ =	swait.ge @!p1 [sflag:s0], $0xA000  }
0x57: {  	s11 =	sshra.s32 s29, $0x2;
	[sflag:s0] =	ssyncset.done @!p1 $0x0  }
0x58: {  	s12 =	sadd.s32 $0x280, s11;
	[sflag:s0] =	ssyncadd.s32 @!p1 $0xFFFF6000  }
0x59: {  	[tilespmem:s18], [sflag:$0x2] =	stream.indirect.gather [hbm4b:s3+s9], $0x40, s12, s9, $0xb8;
	[tilespmem:$0x15900] =	vst v63  }
0x5a: {  	s15 =	sadd.s32 $0x300, s11;
	s13 =	rddreg [dreg:$0x3]  }
0x5b: {  	[tilespmem:s13], [sflag:$0x2] =	stream.indirect.gather [hbm4b:s3+s9], $0x40, s15, s9, $0xb8;
	[tilespmem:$0x15900] =	vst v63  }
0x5c: {  	s14 =	sadd.s32 $0x380, s11;
	s16 =	rddreg [dreg:$0x4]  }
0x5d: {  	[tilespmem:s16], [sflag:$0x2] =	stream.indirect.gather [hbm4b:s3+s9], $0x40, s14, s9, $0xb8;
	[tilespmem:$0x15900] =	vst v63  }
0x5e: {  	s15 =	sadd.s32 $0x400, s11  }
0x5f: {  	[tilespmem:s19], [sflag:$0x2] =	stream.indirect.gather [hbm4b:s3+s9], $0x40, s15, s9, $0xb8;
	[tilespmem:$0x15900] =	vst v63  }
0x60: {  	s16 =	sadd.s32 $0x480, s11  }
0x61: {  	[tilespmem:s20], [sflag:$0x2] =	stream.indirect.gather [hbm4b:s3+s9], $0x40, s16, s9, $0xb8;
	[tilespmem:$0x15900] =	vst v63  }
0x62: {  	_ =	swait.ge [sflag:s21], $0x2000  }
0x63: {  	[sflag:s21] =	ssyncset.done $0x0  }
0x64: {  	[sflag:s21] =	ssyncadd.s32 $0xFFFFE000  }
0x65: {  	_ =	swait.ge [sflag:s21], $0x2000  }
0x66: {  	[sflag:s21] =	ssyncset.done $0x0  }
0x67: {  	[sflag:s21] =	ssyncadd.s32 $0xFFFFE000  }
0x68: {  	_ =	swait.ge [sflag:s21], $0x2000  }
0x69: {  	[sflag:s21] =	ssyncset.done $0x0  }
0x6a: {  	[sflag:s21] =	ssyncadd.s32 $0xFFFFE000  }
0x6b: {  	_ =	swait.ge [sflag:s21], $0x2000  }
0x6c: {  	[sflag:s21] =	ssyncset.done $0x0  }
0x6d: {  	[sflag:s21] =	ssyncadd.s32 $0xFFFFE000  }
0x6e: {  	_ =	swait.ge [sflag:s21], $0x2000  }
0x6f: {  	p1 =	seq.s32 s29, $0x5000;
	[sflag:s21] =	ssyncset.done $0x0  }
0x70: {  	s0 =	simm.s32 @!p1 $0x3;
	[sflag:s21] =	ssyncadd.s32 $0xFFFFE000  }
0x71: {  	[hbm4b:s28+s2] =	stream.linear.scatter [tilespmem:s10], [sflag:$0x3], $0xA000, $0x38;
	[tilespmem:$0x15900] =	vst v63  }
0x72: {  	_ =	swait.ge @!p1 [sflag:s0], $0xA000  }
0x73: {  	s11 =	sshra.s32 @!p1 s29, $0x2;
	s14 =	simm.s32 @!p1 $0x80;
	[sflag:s0] =	ssyncset.done @!p1 $0x0  }
0x74: {  	s29 =	simm.s32 @!p1 $0x1900;
	s12 =	sadd.s32 @!p1 $0x500, s11;
	[sflag:s0] =	ssyncadd.s32 @!p1 $0xFFFF6000  }
0x75: {  	[tilespmem:s29], [sflag:$0x1] =	stream.indirect.gather @!p1 [hbm4b:s3+s14], $0x40, s12, s14, $0xb8;
	[tilespmem:$0x15900] =	vst v63  }
0x76: {  	s13 =	sadd.s32 @!p1 $0x580, s11;
	s0 =	simm.s32 @!p1 $0x3900  }
0x77: {  	[tilespmem:s0], [sflag:$0x1] =	stream.indirect.gather @!p1 [hbm4b:s3+s14], $0x40, s13, s14, $0xb8;
	[tilespmem:$0x15900] =	vst v63  }
0x78: {  	s15 =	sadd.s32 @!p1 $0x600, s11;
	s12 =	simm.s32 @!p1 $0x5900  }
0x79: {  	[tilespmem:s12], [sflag:$0x1] =	stream.indirect.gather @!p1 [hbm4b:s3+s14], $0x40, s15, s14, $0xb8;
	[tilespmem:$0x15900] =	vst v63  }
0x7a: {  	s1 =	smov.u32 s30;
	s16 =	sadd.s32 @!p1 $0x680, s11;
	s0 =	simm.s32 @!p1 $0x7900  }
0x7b: {  	[tilespmem:s0], [sflag:$0x1] =	stream.indirect.gather @!p1 [hbm4b:s3+s14], $0x40, s16, s14, $0xb8;
	[tilespmem:$0x15900] =	vst v63  }
0x7c: {  	s11 =	sadd.s32 @!p1 $0x700, s11;
	s29 =	smov.u32 s1;
	s1 =	simm.s32 @!p1 $0x9900  }
0x7d: {  	[tilespmem:s1], [sflag:$0x1] =	stream.indirect.gather @!p1 [hbm4b:s3+s14], $0x40, s11, s14, $0xb8;
	[tilespmem:$0x15900] =	vst v63  }
0x7e: {  	_ =	swait.ge [sflag:s22], $0x2000  }
0x7f: {  	[sflag:s22] =	ssyncset.done $0x0  }
0x80: {  	[sflag:s22] =	ssyncadd.s32 $0xFFFFE000  }
0x81: {  	_ =	swait.ge [sflag:s22], $0x2000  }
0x82: {  	[sflag:s22] =	ssyncset.done $0x0  }
0x83: {  	[sflag:s22] =	ssyncadd.s32 $0xFFFFE000  }
0x84: {  	s30 =	sadd.s32 $0x1400, s30;
	_ =	swait.ge [sflag:s22], $0x2000  }
0x85: {  	p0 =	sne.s32 s30, $0x6400;
	[sflag:s22] =	ssyncset.done $0x0  }
.Ltmp0:
0x86: {  	[sflag:s22] =	ssyncadd.s32 $0xFFFFE000;
	(pc) =	sbr.rel @p0 .LBB2_2-.Ltmp0, $4  }
0x87: {  	_ =	swait.ge [sflag:s22], $0x2000  }
0x88: {  	[sflag:s22] =	ssyncset.done $0x0  }
0x89: {  	s31 =	smov.u32 s26;
	s26 =	sadd.s32 $0x2800, s26;
	[sflag:s22] =	ssyncadd.s32 $0xFFFFE000  }
0x8a: {  	s28 =	sadd.s32 $0x2800, s28;
	p1 =	seq.s32 s29, $0x0;
	_ =	swait.ge [sflag:s22], $0x2000  }
0x8b: {  	[sflag:s22] =	ssyncset.done $0x0  }
0x8c: {  	s0 =	simm.s32 @!p1 $0x4;
	[sflag:s22] =	ssyncadd.s32 $0xFFFFE000  }
0x8d: {  	[hbm4b:s31+s2] =	stream.linear.scatter [tilespmem:s18], [sflag:$0x4], $0xA000, $0x38;
	[tilespmem:$0x15900] =	vst v63  }
0x8e: {  	_ =	swait.ge @!p1 [sflag:s0], $0xA000  }
0x8f: {  	s1 =	sshra.s32 s29, $0x2;
	[sflag:s0] =	ssyncset.done @!p1 $0x0  }
0x90: {  	s11 =	sadd.s32 $0x280, s1;
	[sflag:s0] =	ssyncadd.s32 @!p1 $0xFFFF6000  }
0x91: {  	[tilespmem:s18], [sflag:$0x2] =	stream.indirect.gather [hbm4b:s3+s9], $0x40, s11, s9, $0xb8;
	[tilespmem:$0x15900] =	vst v63  }
0x92: {  	s14 =	sadd.s32 $0x300, s1;
	s12 =	rddreg [dreg:$0x3]  }
0x93: {  	[tilespmem:s12], [sflag:$0x2] =	stream.indirect.gather [hbm4b:s3+s9], $0x40, s14, s9, $0xb8;
	[tilespmem:$0x15900] =	vst v63  }
0x94: {  	s16 =	sadd.s32 $0x380, s1;
	s15 =	rddreg [dreg:$0x4]  }
0x95: {  	[tilespmem:s15], [sflag:$0x2] =	stream.indirect.gather [hbm4b:s3+s9], $0x40, s16, s9, $0xb8;
	[tilespmem:$0x15900] =	vst v63  }
0x96: {  	s30 =	sadd.s32 $0x400, s1  }
0x97: {  	[tilespmem:s19], [sflag:$0x2] =	stream.indirect.gather [hbm4b:s3+s9], $0x40, s30, s9, $0xb8;
	[tilespmem:$0x15900] =	vst v63  }
0x98: {  	s31 =	sadd.s32 $0x480, s1  }
0x99: {  	[tilespmem:s20], [sflag:$0x2] =	stream.indirect.gather [hbm4b:s3+s9], $0x40, s31, s9, $0xb8;
	[tilespmem:$0x15900] =	vst v63  }
0x9a: {  	_ =	swait.ge [sflag:s21], $0x2000  }
0x9b: {  	[sflag:s21] =	ssyncset.done $0x0  }
0x9c: {  	[sflag:s21] =	ssyncadd.s32 $0xFFFFE000  }
0x9d: {  	_ =	swait.ge [sflag:s21], $0x2000  }
0x9e: {  	[sflag:s21] =	ssyncset.done $0x0  }
0x9f: {  	[sflag:s21] =	ssyncadd.s32 $0xFFFFE000  }
0xa0: {  	_ =	swait.ge [sflag:s21], $0x2000  }
0xa1: {  	[sflag:s21] =	ssyncset.done $0x0  }
0xa2: {  	[sflag:s21] =	ssyncadd.s32 $0xFFFFE000  }
0xa3: {  	_ =	swait.ge [sflag:s21], $0x2000  }
0xa4: {  	[sflag:s21] =	ssyncset.done $0x0  }
0xa5: {  	[sflag:s21] =	ssyncadd.s32 $0xFFFFE000  }
0xa6: {  	_ =	swait.ge [sflag:s21], $0x2000  }
0xa7: {  	p0 =	seq.s32 s29, $0x5000;
	[sflag:s21] =	ssyncset.done $0x0  }
0xa8: {  	s0 =	simm.s32 @!p0 $0x3;
	[sflag:s21] =	ssyncadd.s32 $0xFFFFE000  }
0xa9: {  	[hbm4b:s28+s2] =	stream.linear.scatter [tilespmem:s10], [sflag:$0x3], $0xA000, $0x38;
	[tilespmem:$0x15900] =	vst v63  }
0xaa: {  	_ =	swait.ge @!p0 [sflag:s0], $0xA000  }
0xab: {  	s13 =	simm.s32 @!p0 $0x1900;
	s1 =	sshra.s32 @!p0 s29, $0x2;
	[sflag:s0] =	ssyncset.done @!p0 $0x0  }
0xac: {  	s11 =	sadd.s32 @!p0 $0x500, s1;
	s12 =	simm.s32 @!p0 $0x80;
	[sflag:s0] =	ssyncadd.s32 @!p0 $0xFFFF6000  }
0xad: {  	[tilespmem:s13], [sflag:$0x1] =	stream.indirect.gather @!p0 [hbm4b:s3+s12], $0x40, s11, s12, $0xb8;
	[tilespmem:$0x15900] =	vst v63  }
0xae: {  	s0 =	sadd.s32 @!p0 $0x580, s1;
	s11 =	simm.s32 @!p0 $0x3900  }
0xaf: {  	[tilespmem:s11], [sflag:$0x1] =	stream.indirect.gather @!p0 [hbm4b:s3+s12], $0x40, s0, s12, $0xb8;
	[tilespmem:$0x15900] =	vst v63  }
0xb0: {  	s0 =	sadd.s32 @!p0 $0x600, s1;
	s11 =	simm.s32 @!p0 $0x5900  }
0xb1: {  	[tilespmem:s11], [sflag:$0x1] =	stream.indirect.gather @!p0 [hbm4b:s3+s12], $0x40, s0, s12, $0xb8;
	[tilespmem:$0x15900] =	vst v63  }
0xb2: {  	s0 =	sadd.s32 @!p0 $0x680, s1;
	s11 =	simm.s32 @!p0 $0x7900  }
0xb3: {  	[tilespmem:s11], [sflag:$0x1] =	stream.indirect.gather @!p0 [hbm4b:s3+s12], $0x40, s0, s12, $0xb8;
	[tilespmem:$0x15900] =	vst v63  }
0xb4: {  	s0 =	sadd.s32 @!p0 $0x700, s1;
	s1 =	simm.s32 @!p0 $0x9900  }
0xb5: {  	[tilespmem:s1], [sflag:$0x1] =	stream.indirect.gather @!p0 [hbm4b:s3+s12], $0x40, s0, s12, $0xb8;
	[tilespmem:$0x15900] =	vst v63  }
0xb6: {  	_ =	swait.ge [sflag:s22], $0x2000  }
0xb7: {  	[sflag:s22] =	ssyncset.done $0x0  }
0xb8: {  	[sflag:s22] =	ssyncadd.s32 $0xFFFFE000  }
0xb9: {  	_ =	swait.ge [sflag:s22], $0x2000  }
0xba: {  	[sflag:s22] =	ssyncset.done $0x0  }
0xbb: {  	[sflag:s22] =	ssyncadd.s32 $0xFFFFE000  }
0xbc: {  	_ =	swait.ge [sflag:s22], $0x2000  }
0xbd: {  	[sflag:s22] =	ssyncset.done $0x0  }
0xbe: {  	[sflag:s22] =	ssyncadd.s32 $0xFFFFE000  }
0xbf: {  	_ =	swait.ge [sflag:s22], $0x2000  }
0xc0: {  	[sflag:s22] =	ssyncset.done $0x0  }
0xc1: {  	[sflag:s22] =	ssyncadd.s32 $0xFFFFE000  }
0xc2: {  	_ =	swait.ge [sflag:s22], $0x2000  }
0xc3: {  	[sflag:s22] =	ssyncset.done $0x0  }
0xc4: {  	s25 =	sadd.s32 $0x1, s25;
	[sflag:s22] =	ssyncadd.s32 $0xFFFFE000  }
0xc5: {  	[hbm4b:s26+s2] =	stream.linear.scatter [tilespmem:s18], [sflag:$0x4], $0xA000, $0x38;
	[tilespmem:$0x15900] =	vst v63  }
0xc6: {  	p0 =	sne.s32 s25, s5;
	_ =	swait.ge [sflag:s23], $0xA000  }
.Ltmp1:
0xc7: {  	[sflag:s23] =	ssyncset.done $0x0;
	(pc) =	sbr.rel @p0 .LBB2_1-.Ltmp1, $4  }
0xc8: {  	[sflag:s23] =	ssyncadd.s32 $0xFFFF6000  }
0xc9: {  	_ =	swait.ge [sflag:s24], $0xA000  }
0xca: {  	[sflag:s24] =	ssyncset.done $0x0  }
0xcb: {  	[sflag:s24] =	ssyncadd.s32 $0xFFFF6000  }
0xcc: {  	_ =	sfence.sel $0x180000  }
0xcd: {  	[bflag:$0x0] =	sbarrier.arrive $0xFFFF  }
0xce: {  	_ =	strace $0x9000004A  }
0xcf: {  	s0 =	stileid.u32;
	[bflag:$0x2] =	sbarrier.arrive $0xFFFF  }
0xd0: {  	p0 =	sne.s32 s0, $0x0;
	s0 =	rddreg [dreg:$0x2]  }
0xd1: {  	s0 =	sadd.s32 @!p0 $0x100000, s0  }
0xd2: {  	[sflag:s0] =	ssyncadd.tile.s32 @!p0 $0x1;
	_ =	shalt  }
.Lfunc_end2:
_tile_overlayer_lowered:
.L_overlay_start_2:
0xd3: {  	(tag) =	ssettag $0x2  }
0xd4: {  	s0 =	rddreg [dreg:$0x0];
	s2 =	stileid.u32  }
0xd5: {  	s1 =	rddreg [dreg:$0x1];
	p0 =	sne.s32 s2, $0x0  }
0xd6: {  	s3 =	rddreg [dreg:$0x2];
	[bflag:$0x3] =	sbarrier.arrive $0xFFFF;
	s2 =	simm.s32 @!p0 $0x1C05  }
0xd7: {  	[timem:s3], [sflag:s2] =	dma.local @!p0 [hbm:s0], s1  }
0xd8: {  	s0 =	simm.s32 @!p0 $0x5  }
0xd9: {  	_ =	swait.ge @!p0 [sflag:s0], s1  }
0xda: {  	s1 =	ssub.s32 @!p0 $0x0, s1;
	[sflag:s0] =	ssyncset.done @!p0 $0x0  }
0xdb: {  	[sflag:s0] =	ssyncadd.s32 @!p0 s1  }
0xdc: {  	[bflag:$0x3] =	sbarrier.arrive $0xFFFF  }
0xdd: {  	_ =	shalt  }

// kernel: sparse-core-data-format-call.cloned.1.call-start
scs
called_computation_lowered:
.L_overlay_start_0:
0x0: {  	s2 =	sld [smem:$0x3FD9]  }
0x1: {  	s3 =	sld [smem:$0x3FFE];
	_ =	sdelay $0x1  }
0x2: {  	s1 =	srdreg.scid  }
0x3: {  	s0 =	sand.u32 $0x1, s1  }
0x4: {  	s15 =	sshll.u32 s0, $0xA;
	s2 =	sadd.s32 s3, s2  }
0x5: {  	s2 =	sadd.s32 s2, s15  }
0x6: {  	[smem:$0x3FC6] =	sst s2  }
0x7: {  	_ = 	snop  }
0x8: {  	s2 =	sld [smem:$0x3FD0];
	_ =	sdelay $0x2  }
0x9: {  	s16 =	simm.s32 $0xA;
	s4 =	simm.s32 $0x10  }
0xa: {  	[smem:s4], [sflag:s16] =	dma.local [hbm:s2], $0x1  }
0xb: {  	_ =	swait.eq [sflag:s16], $0x1  }
0xc: {  	[sflag:s16] =	ssyncset.done $0x0  }
0xd: {  	[sflag:s16] =	ssyncadd.s32 $0xFFFFFFFF  }
0xe: {  	s17 =	sld [smem:$0x10];
	(tm) =	ssettm $0x1  }
0xf: {  	s18 =	sld [smem:$0x3FFB];
	_ =	sdelay $0x3  }
0x10: {  	_ =	strace s18  }
0x11: {  	s3 =	sld [smem:$0x3FFC];
	_ =	sdelay $0x3  }
0x12: {  	_ =	strace s3  }
0x13: {  	s3 =	sld [smem:$0x3FFD];
	_ =	sdelay $0x3  }
0x14: {  	_ =	strace s3  }
0x15: {  	_ =	strace $0x8FFFFFFF  }
0x16: {  	s19 =	sld [smem:$0x3FDB];
	_ =	sdelay $0x1  }
0x17: {  	s20 =	simm.s32 $_scs_section_size  }
0x18: {  	s5 =	simm.s32 $_size__tile_overlayer_lowered;
	s6 =	simm.s32 $_tile_overlayer_lowered  }
0x19: {  	s23 =	simm.s32 $0x1BFF;
	s22 =	sshll.u32 s6, $0x1;
	s3 =	sadd.s32 s20, s19  }
0x1a: {  	s7 =	simm.s32 $0x0;
	s21 =	sshll.u32 s5, $0x1;
	s5 =	sadd.s32 s22, s3  }
0x1b: {  	[timem:s7], [sflag:s23] =	dma.local [hbm:s5], s21  }
0x1c: {  	_ =	swait.ge [sflag:s23], s21  }
0x1d: {  	s4 =	ssub.s32 $0x0, s21;
	[sflag:s23] =	ssyncset.done $0x0  }
0x1e: {  	[sflag:s23] =	ssyncadd.s32 s4;
	_ =	sdelay $0x1  }
0x1f: {  	s24 =	simm.s32 $0x1B8B  }
0x20: {  	_ =	swait.ge [sflag:s24], $0x1  }
0x21: {  	[sflag:s24] =	ssyncset.done $0x0  }
0x22: {  	s26 =	simm.s32 $0x1B8E;
	s25 =	sld [smem:$0x3FFE];
	[sflag:s24] =	ssyncadd.s32 $0xFFFFFFFF  }
0x23: {  	s27 =	simm.s32 $execute0_lowered;
	[smem:$0x3FD2] =	sst s26  }
0x24: {  	s5 =	sshll.u32 s27, $0x1;
	_ =	strace $0x8000004C;
	[dreg:$0x1] =	wrdreg $0xFFFFFFFF  }
0x25: {  	s28 =	simm.s32 $_size_execute0_lowered;
	s3 =	sadd.s32 s3, s5;
	[dreg:$0x0] =	wrdreg $0x0  }
0x26: {  	s5 =	sshll.u32 s28, $0x1;
	[dreg:$0x2] =	wrdreg s3  }
0x27: {  	[dreg:$0x3] =	wrdreg s5  }
0x28: {  	[dreg:$0x4] =	wrdreg $0xC0  }
0x29: {  	_ =	task [dreg:s7], $0x5FFFF  }
0x2a: {  	[dreg:$0x1] =	wrdreg $0xFFFFFFFF  }
0x2b: {  	[dreg:$0x0] =	wrdreg $0x60  }
0x2c: {  	[dreg:$0x2] =	wrdreg s25  }
0x2d: {  	[dreg:$0x3] =	wrdreg s17  }
0x2e: {  	[dreg:$0x4] =	wrdreg $0x9  }
0x2f: {  	_ =	task.clear_ibuf [dreg:s7], $0x5FFFF;
	_ =	strace $0x9000004C  }
0x30: {  	s29 =	simm.s32 $0x9;
	_ =	strace $0x8000004E  }
0x31: {  	_ =	swait.ge [sflag:s29], $0x1  }
0x32: {  	[sflag:s29] =	ssyncadd.s32 $0xFFFFFFFF  }
0x33: {  	_ =	strace $0x9000004E  }
0x34: {  	_ =	sfence  }
0x35: {  	s30 =	sld [smem:$0x0];
	_ =	sdelay $0x2  }
0x36: {  	s31 =	sshll.u32 s1, $0xD;
	s1 =	sshrl.u32 s1, $0x2  }
0x37: {  	s3 =	sand.u32 $0x4000, s31;
	s1 =	sadd.s32 s1, s30  }
0x38: {  	s0 =	sor.u32 s3, s0;
	s1 =	sshll.u32 s1, $0x11  }
0x39: {  	s0 =	sor.u32 s1, s0  }
0x3a: {  	s0 =	sadd.s32 $0x8F2B, s0  }
0x3b: {  	[sflag:s0] =	ssyncadd.remote.s32 $0x1  }
0x3c: {  	_ =	sfence.sel $0xFFFF  }
0x3d: {  	[dreg:$0x0] =	wrdreg $0xFFFFFFFF;
	(pc) =	sbr.abs _section_cstart, $3  }
0x3e: {  	[dreg:$0x1] =	wrdreg $0xFFFFFFFF  }
0x3f: {  	_ =	task.clear_ibuf [dreg:s7], $0x2FFFF;
	_ =	strace $0x9FFFFFFF  }
0x40: {  	(tm) =	ssettm $0x7FFFFFFF  }
0x41: {  	_ =	shalt  }
tec
execute0_lowered:
.L_overlay_start_1:
0x0: {  	(tag) =	ssettag $0x1  }
0x1: {  	s0 =	srdreg.scid  }
0x2: {  	s1 =	sshll.u32 s0, $0x4  }
0x3: {  	s0 =	stileid.u32;
	s1 =	sand.u32 $0x10, s1  }
0x4: {  	s1 =	sor.u32 s0, s1  }
0x5: {  	s6 =	rddreg [dreg:$0x0];
	s4 =	simm.s32 $0x1;
	s2 =	sshll.u32 s1, $0x7  }
0x6: {  	s7 =	simm.s32 $0x2;
	s12 =	simm.s32 $0x0;
	s1 =	ssub.s32 $0x1000, s2  }
0x7: {  	s8 =	simm.s32 $0x8000;
	s13 =	simm.s32 $0x0;
	s3 =	sand.u32 $0xF80, s1  }
0x8: {  	s9 =	simm.s32 $0x0;
	s5 =	sshrl.u32 s1, $0xC;
	p0 =	sne.s32 s3, $0x0  }
.Ltmp0:
0x9: {  	s1 =	rddreg [dreg:$0x2];
	s4 =	simm.s32 @!p0 $0x0;
	(pc) =	sbr.rel .LBB1_1-.Ltmp0, $4  }
0xa: {  	s11 =	simm.s32 $0x0;
	s3 =	rddreg [dreg:$0x1];
	s5 =	sadd.s32 s4, s5  }
0xb: {  	_ =	strace $0x8000004D;
	s4 =	simm.s32 $0x1;
	s5 =	smul.u32 $0x32, s5  }
0xc: {  	s6 =	sadd.s32 $0xE00, s6;
	s10 =	smov.u32 s2;
	[sflag:s4] =	ssyncpa.u1 $0x0  }
0xd: {  	p0 =	por $0x0, $0x0;
	[sflag:s7] =	ssyncpa.u1 $0x0;
	s7 =	sor.u32 $0x1, s5  }
.LBB1_4:
0xe: {  	s16 =	sshll.u32 s13, $0x3;
	s17 =	sand.u32 $0x78, s13  }
0xf: {  	s30 =	sand.u32 $0x7E00, s13;
	s12 =	sshll.u32 s12, $0xF;
	s16 =	sand.u32 $0xC00, s16  }
0x10: {  	[tilespmem:s15+$0x810 ss:$0x81] =	vst.msk $0xffff, v2;
	s31 =	sand.u32 $0x7, s13;
	s16 =	sor.u32 s17, s16;
	s17 =	sadd.s32 s3, s30  }
0x11: {  	[tilespmem:s15+$0x1020 ss:$0x81] =	vst.msk $0xffff, v0;
	s13 =	sshll.u32 s31, $0x12;
	s12 =	sadd.s32 s12, s17;
	s16 =	sshrl.u32 s16, $0x3  }
0x12: {  	[tilespmem:s15+$0x0 ss:$0x81] =	vst.msk $0xffff, v1;
	s13 =	sor.u32 $0x400, s13;
	s12 =	sadd.s32 s16, s12  }
0x13: {  	[hbm4b:s12+s13] =	stream.strided.scatter [tilespmem:s14], [sflag:$0x2], $0x2000, s8, s13, $0x20;
	[tilespmem:$0x8080] =	vst v63  }
.LBB1_5:
0x14: {  	s14 =	sadd.s32 $0x1, s9  }
0x15: {  	s12 =	sadd.s32 $0x1000, s10;
	s16 =	smov.u32 s10;
	p2 =	sgt.s32 s14, $0x31  }
0x16: {  	s16 =	smov.u32 @p2 s12  }
0x17: {  	s14 =	simm.s32 @p2 $0x0;
	p2 =	sgt.s32 s16, $0xFFF  }
0x18: {  	s16 =	smov.u32 @p2 s2;
	p2 =	sne.s32 s11, s7  }
.Ltmp1:
0x19: {  	p1 =	slt.u32 s11, $0x2;
	(pc) =	sbr.rel @!p2 .LBB1_6-.Ltmp1, $4  }
0x1a: {  	s15 =	simm.s32 @!p1 $0x2  }
0x1b: {  	s13 =	smov.u32 s10;
	p0 =	por !p0, !p0;
	_ =	swait.ge @!p1 [sflag:s15], $0x2000  }
0x1c: {  	s12 =	smov.u32 s9;
	[sflag:s15] =	ssyncset.done @!p1 $0x0;
	s9 =	smov.u32 s14  }
0x1d: {  	s11 =	sadd.s32 $0x1, s11;
	[sflag:s15] =	ssyncadd.s32 @!p1 $0xFFFFE000;
	s10 =	smov.u32 s16  }
.LBB1_1:
0x1e: {  	p1 =	sge.u32 s11, s5  }
0x1f: {  	s14 =	sand.u32 @!p1 $0x1FFFFFF, s9  }
0x20: {  	s15 =	smulhi.u32 @!p1 $0x4924925, s14;
	_ =	sdelay $0x1  }
0x21: {  	s15 =	smul.u32 @!p1 $0x38, s15  }
0x22: {  	s16 =	sxor.u32 @!p1 $0xFFFFFFFF, s11;
	s17 =	smul.u32 @!p1 $0x380, s10  }
0x23: {  	s31 =	sadd.s32 $0xFFFFFFFF, s11;
	s16 =	sshll.u32 @!p1 s16, $0xD;
	s14 =	ssub.s32 @!p1 s14, s15  }
0x24: {  	s15 =	sand.u32 @!p1 $0x2000, s16;
	s16 =	sadd.s32 @!p1 s6, s17;
	s14 =	sshll.u32 @!p1 s14, $0x4  }
0x25: {  	s17 =	simm.s32 @!p1 $0x1C00;
	s14 =	sadd.s32 @!p1 s14, s16;
	s16 =	simm.s32 @!p1 $0x40  }
0x26: {  	[tilespmem:s15], [sflag:$0x1] =	stream.strided.gather @!p1 [hbm4b:s14+s16], $0x2000, s17, s16, $0x38;
	[tilespmem:$0x8080] =	vst v63  }
0x27: {  	p1 =	sge.u32 s31, s5  }
.Ltmp2:
0x28: {  	_ = 	snop;
	(pc) =	sbr.rel @p1 .LBB1_5-.Ltmp2, $1  }
0x29: {  	_ =	sdelay $0x3  }
0x2a: {  	s14 =	simm.s32 $0x1  }
0x2b: {  	_ =	swait.ge [sflag:s4], $0x2000;
	s14 =	simm.s32 @!p0 $0x0  }
0x2c: {  	[sflag:s4] =	ssyncset.done $0x0;
	s15 =	sshll.u32 s14, $0xD  }
0x2d: {  	[sflag:s4] =	ssyncadd.s32 $0xFFFFE000;
	s18 =	sor.u32 $0x20, s15  }
0x2e: {  	s14 =	smul.u32 $0x8100, s14;
	v3 =	vld [tilespmem:s18+$0x10]  }
0x2f: {  	s30 =	sand.u32 $0x1, s11;
	v2 =	vld [tilespmem:s18+$0xFFFFFFF0]  }
0x30: {  	s15 =	smul.u32 $0x8100, s30;
	s14 =	sshrl.u32 s14, $0x2;
	v0 =	vld [tilespmem:s18+$0x0]  }
0x31: {  	v1 =	vld [tilespmem:s18+$0xFFFFFFE0];
	s16 =	sor.u32 $0x4000, s14  }
0x32: {  	s31 =	sshrl.u32 s15, $0x2;
	s15 =	sadd.s32 $0x0, s16  }
0x33: {  	s17 =	simm.s32 $0x4;
	s18 =	sadd.s32 $0x40, s18;
	s14 =	sor.u32 $0x4000, s31;
	[tilespmem:s15+$0x1830 ss:$0x81] =	vst.msk $0xffff, v3  }
.LBB1_3:
0x34: {  	v3 =	vld [tilespmem:s18+$0x10];
	p1 =	sne.s32 s17, $0x1FC;
	[tilespmem:s15+$0x810 ss:$0x81] =	vst.msk $0xffff, v2;
	s19 =	smov.u32 s17;
	s17 =	sadd.s32 $0x4, s17  }
.Ltmp3:
0x35: {  	v2 =	vld [tilespmem:s18+$0xFFFFFFF0];
	[tilespmem:s15+$0x1020 ss:$0x81] =	vst.msk $0xffff, v0;
	(pc) =	sbr.rel @p1 .LBB1_3-.Ltmp3, $4  }
0x36: {  	v0 =	vld [tilespmem:s18+$0x0];
	[tilespmem:s15+$0x0 ss:$0x81] =	vst.msk $0xffff, v1  }
0x37: {  	s15 =	sshra.s32 s19, $0x2;
	v1 =	vld [tilespmem:s18+$0xFFFFFFE0]  }
0x38: {  	s15 =	sadd.s32 s15, s16  }
0x39: {  	s18 =	sadd.s32 $0x40, s18;
	[tilespmem:s15+$0x1830 ss:$0x81] =	vst.msk $0xffff, v3  }
.Ltmp4:
0x3a: {  	_ = 	snop;
	(pc) =	sbr.rel .LBB1_4-.Ltmp4, $1  }
0x3b: {  	_ =	sdelay $0x3  }
.LBB1_6:
0x3c: {  	_ =	sfence.sel $0x180000  }
0x3d: {  	s2 =	simm.s32 $0x1;
	[bflag:$0x0] =	sbarrier.arrive $0xFFFF  }
0x3e: {  	s31 =	simm.s32 $0x2;
	[sflag:s2] =	ssyncpa.u1 $0x1  }
0x3f: {  	[sflag:s31] =	ssyncpa.u1 $0x1  }
0x40: {  	p0 =	sne.s32 s0, $0x0;
	_ =	strace $0x9000004D  }
0x41: {  	s0 =	sadd.s32 @!p0 $0x100000, s1;
	[bflag:$0x2] =	sbarrier.arrive $0xFFFF  }
0x42: {  	[sflag:s0] =	ssyncadd.tile.s32 @!p0 $0x1;
	_ =	shalt  }
.Lfunc_end1:
_tile_overlayer_lowered:
.L_overlay_start_2:
0x43: {  	(tag) =	ssettag $0x2  }
0x44: {  	s0 =	rddreg [dreg:$0x0];
	s2 =	stileid.u32  }
0x45: {  	s1 =	rddreg [dreg:$0x1];
	p0 =	sne.s32 s2, $0x0  }
0x46: {  	s3 =	rddreg [dreg:$0x2];
	[bflag:$0x3] =	sbarrier.arrive $0xFFFF;
	s2 =	simm.s32 @!p0 $0x1C01  }
0x47: {  	[timem:s3], [sflag:s2] =	dma.local @!p0 [hbm:s0], s1  }
0x48: {  	s0 =	simm.s32 @!p0 $0x1  }
0x49: {  	_ =	swait.ge @!p0 [sflag:s0], s1  }
0x4a: {  	s1 =	ssub.s32 @!p0 $0x0, s1;
	[sflag:s0] =	ssyncset.done @!p0 $0x0  }
0x4b: {  	[sflag:s0] =	ssyncadd.s32 @!p0 s1  }
0x4c: {  	[bflag:$0x3] =	sbarrier.arrive $0xFFFF  }
0x4d: {  	_ =	shalt  }

</sc_bundles>
